<compile_context>
chip_gen: v7x
topology: tpu7x:2x2x1
jax: 0.10.2.dev20260603
libtpu: 0.0.44.dev20260713+nightly
codegen_flags: <defaults>
</compile_context>

<pallas_src>
import functools

import jax
import jax.numpy as jnp
from jax import lax
from jax.experimental import pallas as pl
from jax.experimental.pallas import tpu as pltpu, tpu_sc as plsc

N_CLIENT = 10000
N_SKU = 10000
E = 320000
C = 128

NUM_TILES = 16
CHUNK = 128
NCHP = 158
NCHA = NCHP + 2
EPTA = NCHA * CHUNK
TOT = NUM_TILES * EPTA
ACC_ROWS = 10240
DUMMY = 10000
ZROWS = 64
RPT = ACC_ROWS // NUM_TILES



HC = C // 2


def _aggr_body(x_lo, x_hi, src_idx, dst_idx, z64_hbm, sum_out,
               idx_s_v, idx_d_v, rows0_v, rows1_v, z64_v, acc,
               gs0, gs1, ss0, ss1):
    c = lax.axis_index("c")
    s = lax.axis_index("s")

    pltpu.sync_copy(src_idx.at[c, s], idx_s_v)
    pltpu.sync_copy(dst_idx.at[c, s], idx_d_v)
    pltpu.sync_copy(z64_hbm, z64_v)

    base = s * RPT
    for p, table in enumerate((x_lo, x_hi)):
        for i in range(RPT // ZROWS):
            pltpu.sync_copy(z64_v, acc.at[pl.ds(base + i * ZROWS, ZROWS)])
        plsc.subcore_barrier()

        def g_start(j, buf, sem, table=table):
            pltpu.async_copy(table.at[idx_s_v.at[j]], buf, sem)

        def g_wait(j, buf, sem, table=table):
            pltpu.make_async_copy(table.at[idx_s_v.at[j]], buf, sem).wait()

        g_start(0, rows0_v, gs0)
        g_start(1, rows1_v, gs1)

        def body(k, carry):
            j = 2 * k
            g_wait(j, rows0_v, gs0)
            d0 = pltpu.async_copy(rows0_v, acc.at[idx_d_v.at[j]], ss0,
                                  add=True)
            d0.wait()
            g_start(j + 2, rows0_v, gs0)
            g_wait(j + 1, rows1_v, gs1)
            d1 = pltpu.async_copy(rows1_v, acc.at[idx_d_v.at[j + 1]], ss1,
                                  add=True)
            d1.wait()
            g_start(j + 3, rows1_v, gs1)
            return carry

        lax.fori_loop(0, NCHP // 2, body, 0)
        g_wait(NCHP, rows0_v, gs0)
        g_wait(NCHP + 1, rows1_v, gs1)
        plsc.subcore_barrier()

        pltpu.sync_copy(acc.at[pl.ds(base, RPT)],
                        sum_out.at[p, c, pl.ds(base, RPT)])


def _make_aggr():
    mesh = plsc.VectorSubcoreMesh(core_axis_name="c", subcore_axis_name="s")
    return pl.kernel(
        _aggr_body,
        out_type=[jax.ShapeDtypeStruct((2, 2, ACC_ROWS, HC), jnp.float32)],
        mesh=mesh,
        scratch_types=[
            pltpu.VMEM((NCHA, CHUNK), jnp.int32),
            pltpu.VMEM((NCHA, CHUNK), jnp.int32),
            pltpu.VMEM((CHUNK, HC), jnp.float32),
            pltpu.VMEM((CHUNK, HC), jnp.float32),
            pltpu.VMEM((ZROWS, HC), jnp.float32),
            pltpu.VMEM_SHARED((ACC_ROWS, HC), jnp.float32),
            pltpu.SemaphoreType.DMA,
            pltpu.SemaphoreType.DMA,
            pltpu.SemaphoreType.DMA,
            pltpu.SemaphoreType.DMA,
        ],
        compiler_params=pltpu.CompilerParams(use_tc_tiling_on_sc=False),
    )


def _cnt_body(dst_idx, ones_hbm, z16_hbm, cnt_out,
              idx_d_v, ones_v, z16_v, cntacc, sem):
    c = lax.axis_index("c")
    s = lax.axis_index("s")

    pltpu.sync_copy(dst_idx.at[c, s], idx_d_v)
    pltpu.sync_copy(ones_hbm, ones_v)
    pltpu.sync_copy(z16_hbm, z16_v)

    base = s * RPT
    for i in range(RPT // ZROWS):
        pltpu.sync_copy(z16_v, cntacc.at[pl.ds(base + i * ZROWS, ZROWS)])
    plsc.subcore_barrier()

    def body(j, carry):
        pltpu.sync_copy(ones_v, cntacc.at[idx_d_v.at[j]], add=True)
        return carry

    lax.fori_loop(0, NCHP, body, 0)
    plsc.subcore_barrier()

    pltpu.sync_copy(cntacc.at[pl.ds(base, RPT)],
                    cnt_out.at[c, pl.ds(base, RPT)])


def _make_cnt():
    mesh = plsc.VectorSubcoreMesh(core_axis_name="c", subcore_axis_name="s")
    return pl.kernel(
        _cnt_body,
        out_type=[jax.ShapeDtypeStruct((2, ACC_ROWS, 16), jnp.float32)],
        mesh=mesh,
        scratch_types=[
            pltpu.VMEM((NCHA, CHUNK), jnp.int32),
            pltpu.VMEM((CHUNK, 16), jnp.float32),
            pltpu.VMEM((ZROWS, 16), jnp.float32),
            pltpu.VMEM_SHARED((ACC_ROWS, 16), jnp.float32),
            pltpu.SemaphoreType.DMA,
        ],
        compiler_params=pltpu.CompilerParams(use_tc_tiling_on_sc=False),
    )


_aggr = _make_aggr()
_cnt = _make_cnt()


def _prep_edges(edge_index_cs, edge_index_sc):
    def one(e_idx, src_off):
        totp = NUM_TILES * NCHP * CHUNK
        src = jnp.zeros((totp,), jnp.int32).at[:E].set(e_idx[0]) + src_off
        dst = jnp.full((totp,), DUMMY, jnp.int32).at[:E].set(e_idx[1])
        src = src.reshape(NUM_TILES, NCHP, CHUNK)
        dst = dst.reshape(NUM_TILES, NCHP, CHUNK)
        pad_s = jnp.full((NUM_TILES, NCHA - NCHP, CHUNK), src_off, jnp.int32)
        pad_d = jnp.full((NUM_TILES, NCHA - NCHP, CHUNK), DUMMY, jnp.int32)
        return (jnp.concatenate([src, pad_s], axis=1),
                jnp.concatenate([dst, pad_d], axis=1))

    s_cs, d_cs = one(edge_index_cs, 0)
    s_sc, d_sc = one(edge_index_sc, N_CLIENT)
    return jnp.stack([s_cs, s_sc]), jnp.stack([d_cs, d_sc])



def _init_body(x_ref, w_ref, b_ref, o_ref):
    x = x_ref[...]
    n = jnp.sqrt(jnp.sum(x * x, axis=-1, keepdims=True))
    xn = x / jnp.maximum(n, 1e-12)
    o_ref[...] = jnp.dot(xn, w_ref[...],
                         preferred_element_type=jnp.float32) + b_ref[...]


def _tc_init(x, w, b):
    n, blk = x.shape[0], 2000
    return pl.pallas_call(
        _init_body,
        grid=(n // blk,),
        in_specs=[
            pl.BlockSpec((blk, x.shape[1]), lambda i: (i, 0)),
            pl.BlockSpec((x.shape[1], w.shape[1]), lambda i: (0, 0)),
            pl.BlockSpec((1, w.shape[1]), lambda i: (0, 0)),
        ],
        out_specs=pl.BlockSpec((blk, w.shape[1]), lambda i: (i, 0)),
        out_shape=jax.ShapeDtypeStruct((n, w.shape[1]), jnp.float32),
    )(x, w, b.reshape(1, -1))


def _post_body(s_ref, cnt_ref, xd_ref, wr_ref, br_ref, wo_ref, g_ref, be_ref,
               o_ref):
    m = s_ref[...] / jnp.maximum(cnt_ref[...], 1.0)
    h = (jnp.dot(m, wr_ref[...], preferred_element_type=jnp.float32)
         + br_ref[...]
         + jnp.dot(xd_ref[...], wo_ref[...], preferred_element_type=jnp.float32))
    mu = jnp.mean(h, axis=-1, keepdims=True)
    v = jnp.mean((h - mu) ** 2, axis=-1, keepdims=True)
    hn = (h - mu) / jnp.sqrt(v + 1e-5) * g_ref[...] + be_ref[...]
    o_ref[...] = jnp.maximum(hn, 0.0)


def _tc_post(s_sum, cnt, x_dst, conv_p, norm_p):
    n, blk = x_dst.shape[0], 2000
    gamma, beta = norm_p
    return pl.pallas_call(
        _post_body,
        grid=(n // blk,),
        in_specs=[
            pl.BlockSpec((blk, C), lambda i: (i, 0)),
            pl.BlockSpec((blk, 1), lambda i: (i, 0)),
            pl.BlockSpec((blk, C), lambda i: (i, 0)),
            pl.BlockSpec((C, C), lambda i: (0, 0)),
            pl.BlockSpec((1, C), lambda i: (0, 0)),
            pl.BlockSpec((C, C), lambda i: (0, 0)),
            pl.BlockSpec((1, C), lambda i: (0, 0)),
            pl.BlockSpec((1, C), lambda i: (0, 0)),
        ],
        out_specs=pl.BlockSpec((blk, C), lambda i: (i, 0)),
        out_shape=jax.ShapeDtypeStruct((n, C), jnp.float32),
    )(s_sum, cnt, x_dst, conv_p['W_rel'], conv_p['b_rel'].reshape(1, -1),
      conv_p['W_root'], gamma.reshape(1, -1), beta.reshape(1, -1))


def _heads_body(x_ref, w1c_ref, b1c_ref, w2c_ref, b2c_ref, w1a_ref, b1a_ref,
                w2a_ref, b2a_ref, w1s_ref, b1s_ref, w2s_ref, b2s_ref,
                churn_ref, cat_ref, sku_ref, ue_ref):
    x = x_ref[...]
    n = jnp.sqrt(jnp.sum(x * x, axis=-1, keepdims=True))
    ue = x / jnp.maximum(n, 1e-12)
    ue_ref[...] = ue

    def head(w1, b1, w2, b2):
        h = jnp.maximum(jnp.dot(ue, w1, preferred_element_type=jnp.float32)
                        + b1, 0.0)
        return jax.nn.sigmoid(jnp.dot(h, w2, preferred_element_type=jnp.float32)
                              + b2)

    churn_ref[...] = head(w1c_ref[...], b1c_ref[...], w2c_ref[...], b2c_ref[...])
    cat_ref[...] = head(w1a_ref[...], b1a_ref[...], w2a_ref[...], b2a_ref[...])
    sku_ref[...] = head(w1s_ref[...], b1s_ref[...], w2s_ref[...], b2s_ref[...])


def _tc_heads(x, heads):
    n, blk = x.shape[0], 2000
    (w1c, b1c), (w2c, b2c) = heads['churn']
    (w1a, b1a), (w2a, b2a) = heads['cat']
    (w1s, b1s), (w2s, b2s) = heads['sku']
    n_cat, n_sku = w2a.shape[1], w2s.shape[1]

    def full(shape):
        return pl.BlockSpec(shape, lambda i: tuple(0 for _ in shape))

    return pl.pallas_call(
        _heads_body,
        grid=(n // blk,),
        in_specs=[
            pl.BlockSpec((blk, C), lambda i: (i, 0)),
            full((C, 128)), full((1, 128)), full((128, 1)), full((1, 1)),
            full((C, 128)), full((1, 128)), full((128, n_cat)), full((1, n_cat)),
            full((C, 128)), full((1, 128)), full((128, n_sku)), full((1, n_sku)),
        ],
        out_specs=[
            pl.BlockSpec((blk, 1), lambda i: (i, 0)),
            pl.BlockSpec((blk, n_cat), lambda i: (i, 0)),
            pl.BlockSpec((blk, n_sku), lambda i: (i, 0)),
            pl.BlockSpec((blk, C), lambda i: (i, 0)),
        ],
        out_shape=[
            jax.ShapeDtypeStruct((n, 1), jnp.float32),
            jax.ShapeDtypeStruct((n, n_cat), jnp.float32),
            jax.ShapeDtypeStruct((n, n_sku), jnp.float32),
            jax.ShapeDtypeStruct((n, C), jnp.float32),
        ],
    )(x, w1c, b1c.reshape(1, -1), w2c, b2c.reshape(1, -1),
      w1a, b1a.reshape(1, -1), w2a, b2a.reshape(1, -1),
      w1s, b1s.reshape(1, -1), w2s, b2s.reshape(1, -1))



def kernel(x_client, x_sku, edge_index_cs, edge_index_sc, params):
    src_idx, dst_idx = _prep_edges(edge_index_cs, edge_index_sc)
    ones = jnp.ones((CHUNK, 16), jnp.float32)
    z128 = jnp.zeros((ZROWS, HC), jnp.float32)
    z16 = jnp.zeros((ZROWS, 16), jnp.float32)

    wic, bic = params['lin_init']['client']
    wis, bis = params['lin_init']['sku']
    xc = _tc_init(x_client, wic, bic)
    xs = _tc_init(x_sku, wis, bis)

    convs = jax.tree.map(lambda *a: jnp.stack(a), *params['convs'])
    norms = jax.tree.map(lambda *a: jnp.stack(a), *params['norms'])

    (cnts,) = _cnt(dst_idx, ones, z16)
    cnt_s = cnts[0, :N_SKU, :1]
    cnt_c = cnts[1, :N_CLIENT, :1]

    def layer_step(carry, layer_p):
        xc, xs = carry
        conv, norm = layer_p
        x_cat = jnp.concatenate([xc, xs], axis=0)
        (sums,) = _aggr(x_cat[:, :HC], x_cat[:, HC:], src_idx, dst_idx, z128)
        sums = jnp.concatenate([sums[0], sums[1]], axis=-1)
        xs_new = _tc_post(sums[0, :N_SKU], cnt_s, xs, conv['cs'], norm['sku'])
        xc_new = _tc_post(sums[1, :N_CLIENT], cnt_c, xc, conv['sc'],
                          norm['client'])
        return (xc_new, xs_new), None

    (xc, xs), _ = lax.scan(layer_step, (xc, xs), (convs, norms))

    churn, cat, sku, ue = _tc_heads(xc, params['heads'])
    return (churn, cat, sku, ue)

# --- scband reference (transcript-rebuilt; emitter-appended) ---
"""Pipeline reference for scband-full-gcnmodel-49976239456895 (READ-ONLY COPY).

The authoritative reference and input builder live on the scoring server;
editing this copy changes nothing except your own understanding.
"""

import jax, jax.numpy as jnp
import numpy as np

N_CLIENT = 10000
N_SKU = 10000
E = 320000
C = 128
D_IN = 128
N_CAT = 50
N_SKU_HEAD = 1000
NUM_LAYERS = 2


def _lin(key, fan_in, fan_out):
    kw, kb = jax.random.split(key)
    w = jax.random.normal(kw, (fan_in, fan_out), jnp.float32) * (1.0 / np.sqrt(fan_in))
    b = jnp.zeros((fan_out,), jnp.float32)
    return (w, b)


def setup_inputs(seed: int = 0):
    key = jax.random.key(seed)
    keys = iter(jax.random.split(key, 64))
    x_client = jax.random.normal(next(keys), (N_CLIENT, D_IN), jnp.float32)
    x_sku = jax.random.normal(next(keys), (N_SKU, D_IN), jnp.float32)
    edge_index_cs = jax.random.randint(next(keys), (2, E), 0, N_SKU, jnp.int32)
    edge_index_sc = jax.random.randint(next(keys), (2, E), 0, N_CLIENT, jnp.int32)
    params = {
        'lin_init': {
            'client': _lin(next(keys), D_IN, C),
            'sku': _lin(next(keys), D_IN, C),
        },
        'convs': [],
        'norms': [],
    }
    for _ in range(NUM_LAYERS):
        conv = {}
        for et in ('cs', 'sc'):
            w_rel, b_rel = _lin(next(keys), C, C)
            w_root, _ = _lin(next(keys), C, C)
            conv[et] = {'W_rel': w_rel, 'b_rel': b_rel, 'W_root': w_root}
        params['convs'].append(conv)
        params['norms'].append({
            'client': (jnp.ones((C,), jnp.float32), jnp.zeros((C,), jnp.float32)),
            'sku': (jnp.ones((C,), jnp.float32), jnp.zeros((C,), jnp.float32)),
        })
    params['heads'] = {
        'churn': (_lin(next(keys), C, 128), _lin(next(keys), 128, 1)),
        'cat': (_lin(next(keys), C, 128), _lin(next(keys), 128, N_CAT)),
        'sku': (_lin(next(keys), C, 128), _lin(next(keys), 128, N_SKU_HEAD)),
    }
    return {'x_client': x_client, 'x_sku': x_sku,
            'edge_index_cs': edge_index_cs, 'edge_index_sc': edge_index_sc,
            'params': params}


def _l2norm(x):
    n = jnp.sqrt(jnp.sum(x * x, axis=-1, keepdims=True))
    return x / jnp.maximum(n, 1e-12)


def _layernorm(x, gamma, beta):
    m = jnp.mean(x, axis=-1, keepdims=True)
    v = jnp.var(x, axis=-1, keepdims=True)
    return (x - m) / jnp.sqrt(v + 1e-5) * gamma + beta


def _mean_aggr(x_src, src, dst, n_dst):
    # gather source features along edges, scatter-add to dst, divide by in-degree
    msg = jnp.take(x_src, src, axis=0)
    s = jax.ops.segment_sum(msg, dst, num_segments=n_dst)
    cnt = jax.ops.segment_sum(jnp.ones((src.shape[0], 1), jnp.float32), dst, num_segments=n_dst)
    return s / jnp.maximum(cnt, 1.0)


def _graph_conv(x_src, x_dst, src, dst, p, n_dst):
    # PyG GraphConv: lin_rel(mean-aggregated neighbors) + lin_root(self)
    m = _mean_aggr(x_src, src, dst, n_dst)
    return m @ p['W_rel'] + p['b_rel'] + x_dst @ p['W_root']


def _head(x, p):
    (w1, b1), (w2, b2) = p
    h = jax.nn.relu(x @ w1 + b1)
    return jax.nn.sigmoid(h @ w2 + b2)


def reference(x_client, x_sku, edge_index_cs, edge_index_sc, params):
    xc = _l2norm(x_client)
    xs = _l2norm(x_sku)
    wic, bic = params['lin_init']['client']
    wis, bis = params['lin_init']['sku']
    xc = xc @ wic + bic
    xs = xs @ wis + bis
    for conv, norm in zip(params['convs'], params['norms']):
        out_sku = _graph_conv(xc, xs, edge_index_cs[0], edge_index_cs[1], conv['cs'], N_SKU)
        out_client = _graph_conv(xs, xc, edge_index_sc[0], edge_index_sc[1], conv['sc'], N_CLIENT)
        gc, bc = norm['client']
        gs, bs = norm['sku']
        xc = jax.nn.relu(_layernorm(out_client, gc, bc))
        xs = jax.nn.relu(_layernorm(out_sku, gs, bs))
    user_emb = _l2norm(xc)
    churn = _head(user_emb, params['heads']['churn'])
    cat = _head(user_emb, params['heads']['cat'])
    sku = _head(user_emb, params['heads']['sku'])
    return (churn, cat, sku, user_emb)

if __name__ == "__main__":
    import jax
    _d = setup_inputs()
    print(jax.jit(kernel)(*tuple(_d.values())))

</pallas_src>

<mosaic_0001>
#map = affine_map<(d0, d1) -> (0, 0, 0, 0)>
#map1 = affine_map<(d0, d1) -> (0, 0)>
#map2 = affine_map<(d0, d1) -> (0, 0, 0)>
module attributes {stable_mosaic.version = 14 : i64} {
  func.func @_cnt_body(%arg0: i32, %arg1: i32, %arg2: memref<2x16x160x128xi32, #tpu.memory_space<hbm>>, %arg3: memref<128x16xf32, #tpu.memory_space<hbm>>, %arg4: memref<64x16xf32, #tpu.memory_space<hbm>>, %arg5: memref<2x10240x16xf32, #tpu.memory_space<hbm>>, %arg6: memref<160x128xi32, #tpu.memory_space<vmem>>, %arg7: memref<128x16xf32, #tpu.memory_space<vmem>>, %arg8: memref<64x16xf32, #tpu.memory_space<vmem>>, %arg9: memref<10240x16xf32, #tpu.memory_space<vmem_shared>>, %arg10: memref<!tpu.dma_semaphore, #tpu.memory_space<semaphore_mem>>) attributes {dimension_semantics = [#tpu.dimension_semantics<core_parallel>, #tpu.dimension_semantics<subcore_parallel>], iteration_bounds = array<i64: 2, 16>, scalar_prefetch = 0 : i64, scratch_operands = 5 : i64, tpu.core_type = #tpu.core_type<sc_vector_subcore>, window_params = [{transform_indices = #map}, {transform_indices = #map1}, {transform_indices = #map1}, {transform_indices = #map2}]} {
    "tpu.region"() ({
      %run_scoped3A = tpu.sem_alloc : memref<!tpu.dma_semaphore, #tpu.memory_space<semaphore_mem>>
      %dma_start3A = arith.constant 0 : i32
      %dma_start3A_26 = arith.constant 0 : i32
      %dma_start3A_27 = tpu.memref_slice %arg2[%arg0, %arg1, %dma_start3A, %dma_start3A_26] : memref<2x16x160x128xi32, #tpu.memory_space<hbm>> -> memref<1x1x160x128xi32, #tpu.memory_space<hbm>>
      %dma_start3A_28 = tpu.memref_squeeze %dma_start3A_27 : memref<1x1x160x128xi32, #tpu.memory_space<hbm>> -> memref<160x128xi32, #tpu.memory_space<hbm>>
      %dma_start3A_29 = arith.constant 0 : i32
      %dma_start3A_30 = arith.constant 0 : i32
      %dma_start3A_31 = tpu.memref_slice %arg2[%arg0, %arg1, %dma_start3A_29, %dma_start3A_30] : memref<2x16x160x128xi32, #tpu.memory_space<hbm>> -> memref<1x1x160x128xi32, #tpu.memory_space<hbm>>
      %dma_start3A_32 = tpu.memref_squeeze %dma_start3A_31 : memref<1x1x160x128xi32, #tpu.memory_space<hbm>> -> memref<160x128xi32, #tpu.memory_space<hbm>>
      tpu.enqueue_dma source(%dma_start3A_32 : memref<160x128xi32, #tpu.memory_space<hbm>>) target(%arg6 : memref<160x128xi32, #tpu.memory_space<vmem>>) target_semaphore(%run_scoped3A : memref<!tpu.dma_semaphore, #tpu.memory_space<semaphore_mem>>)
      %dma_wait3A = arith.constant 0 : i32
      %dma_wait3A_33 = arith.constant 0 : i32
      %dma_wait3A_34 = tpu.memref_slice %arg2[%arg0, %arg1, %dma_wait3A, %dma_wait3A_33] : memref<2x16x160x128xi32, #tpu.memory_space<hbm>> -> memref<1x1x160x128xi32, #tpu.memory_space<hbm>>
      %dma_wait3A_35 = tpu.memref_squeeze %dma_wait3A_34 : memref<1x1x160x128xi32, #tpu.memory_space<hbm>> -> memref<160x128xi32, #tpu.memory_space<hbm>>
      %dma_wait3A_36 = arith.constant 0 : i32
      %dma_wait3A_37 = arith.constant 0 : i32
      %dma_wait3A_38 = tpu.memref_slice %arg2[%arg0, %arg1, %dma_wait3A_36, %dma_wait3A_37] : memref<2x16x160x128xi32, #tpu.memory_space<hbm>> -> memref<1x1x160x128xi32, #tpu.memory_space<hbm>>
      %dma_wait3A_39 = tpu.memref_squeeze %dma_wait3A_38 : memref<1x1x160x128xi32, #tpu.memory_space<hbm>> -> memref<160x128xi32, #tpu.memory_space<hbm>>
      tpu.wait_dma2 semaphore(%run_scoped3A : memref<!tpu.dma_semaphore, #tpu.memory_space<semaphore_mem>>) src(%dma_wait3A_39 : memref<160x128xi32, #tpu.memory_space<hbm>>) dst(%arg6 : memref<160x128xi32, #tpu.memory_space<vmem>>)
      tpu.yield
    }) : () -> ()
    "tpu.region"() ({
      %run_scoped3A = tpu.sem_alloc : memref<!tpu.dma_semaphore, #tpu.memory_space<semaphore_mem>>
      tpu.enqueue_dma source(%arg3 : memref<128x16xf32, #tpu.memory_space<hbm>>) target(%arg7 : memref<128x16xf32, #tpu.memory_space<vmem>>) target_semaphore(%run_scoped3A : memref<!tpu.dma_semaphore, #tpu.memory_space<semaphore_mem>>)
      tpu.wait_dma2 semaphore(%run_scoped3A : memref<!tpu.dma_semaphore, #tpu.memory_space<semaphore_mem>>) src(%arg3 : memref<128x16xf32, #tpu.memory_space<hbm>>) dst(%arg7 : memref<128x16xf32, #tpu.memory_space<vmem>>)
      tpu.yield
    }) : () -> ()
    "tpu.region"() ({
      %run_scoped3A = tpu.sem_alloc : memref<!tpu.dma_semaphore, #tpu.memory_space<semaphore_mem>>
      tpu.enqueue_dma source(%arg4 : memref<64x16xf32, #tpu.memory_space<hbm>>) target(%arg8 : memref<64x16xf32, #tpu.memory_space<vmem>>) target_semaphore(%run_scoped3A : memref<!tpu.dma_semaphore, #tpu.memory_space<semaphore_mem>>)
      tpu.wait_dma2 semaphore(%run_scoped3A : memref<!tpu.dma_semaphore, #tpu.memory_space<semaphore_mem>>) src(%arg4 : memref<64x16xf32, #tpu.memory_space<hbm>>) dst(%arg8 : memref<64x16xf32, #tpu.memory_space<vmem>>)
      tpu.yield
    }) : () -> ()
    %mul3A = arith.constant 640 : i32
    %mul3A_0 = arith.muli %arg1, %mul3A : i32
    %add3A = arith.constant 0 : i32
    %add3A_1 = arith.addi %mul3A_0, %add3A : i32
    "tpu.region"() ({
      %run_scoped3A = tpu.sem_alloc : memref<!tpu.dma_semaphore, #tpu.memory_space<semaphore_mem>>
      %dma_start3A = arith.constant 0 : i32
      %dma_start3A_26 = tpu.memref_slice %arg9[%add3A_1, %dma_start3A] : memref<10240x16xf32, #tpu.memory_space<vmem_shared>> -> memref<64x16xf32, #tpu.memory_space<vmem_shared>>
      %dma_start3A_27 = arith.constant 0 : i32
      %dma_start3A_28 = tpu.memref_slice %arg9[%add3A_1, %dma_start3A_27] : memref<10240x16xf32, #tpu.memory_space<vmem_shared>> -> memref<64x16xf32, #tpu.memory_space<vmem_shared>>
      tpu.enqueue_dma source(%arg8 : memref<64x16xf32, #tpu.memory_space<vmem>>) target(%dma_start3A_28 : memref<64x16xf32, #tpu.memory_space<vmem_shared>>) target_semaphore(%run_scoped3A : memref<!tpu.dma_semaphore, #tpu.memory_space<semaphore_mem>>)
      %dma_wait3A = arith.constant 0 : i32
      %dma_wait3A_29 = tpu.memref_slice %arg9[%add3A_1, %dma_wait3A] : memref<10240x16xf32, #tpu.memory_space<vmem_shared>> -> memref<64x16xf32, #tpu.memory_space<vmem_shared>>
      %dma_wait3A_30 = arith.constant 0 : i32
      %dma_wait3A_31 = tpu.memref_slice %arg9[%add3A_1, %dma_wait3A_30] : memref<10240x16xf32, #tpu.memory_space<vmem_shared>> -> memref<64x16xf32, #tpu.memory_space<vmem_shared>>
      tpu.wait_dma2 semaphore(%run_scoped3A : memref<!tpu.dma_semaphore, #tpu.memory_space<semaphore_mem>>) src(%arg8 : memref<64x16xf32, #tpu.memory_space<vmem>>) dst(%dma_wait3A_31 : memref<64x16xf32, #tpu.memory_space<vmem_shared>>)
      tpu.yield
    }) : () -> ()
    %add3A_2 = arith.constant 64 : i32
    %add3A_3 = arith.addi %mul3A_0, %add3A_2 : i32
    "tpu.region"() ({
      %run_scoped3A = tpu.sem_alloc : memref<!tpu.dma_semaphore, #tpu.memory_space<semaphore_mem>>
      %dma_start3A = arith.constant 0 : i32
      %dma_start3A_26 = tpu.memref_slice %arg9[%add3A_3, %dma_start3A] : memref<10240x16xf32, #tpu.memory_space<vmem_shared>> -> memref<64x16xf32, #tpu.memory_space<vmem_shared>>
      %dma_start3A_27 = arith.constant 0 : i32
      %dma_start3A_28 = tpu.memref_slice %arg9[%add3A_3, %dma_start3A_27] : memref<10240x16xf32, #tpu.memory_space<vmem_shared>> -> memref<64x16xf32, #tpu.memory_space<vmem_shared>>
      tpu.enqueue_dma source(%arg8 : memref<64x16xf32, #tpu.memory_space<vmem>>) target(%dma_start3A_28 : memref<64x16xf32, #tpu.memory_space<vmem_shared>>) target_semaphore(%run_scoped3A : memref<!tpu.dma_semaphore, #tpu.memory_space<semaphore_mem>>)
      %dma_wait3A = arith.constant 0 : i32
      %dma_wait3A_29 = tpu.memref_slice %arg9[%add3A_3, %dma_wait3A] : memref<10240x16xf32, #tpu.memory_space<vmem_shared>> -> memref<64x16xf32, #tpu.memory_space<vmem_shared>>
      %dma_wait3A_30 = arith.constant 0 : i32
      %dma_wait3A_31 = tpu.memref_slice %arg9[%add3A_3, %dma_wait3A_30] : memref<10240x16xf32, #tpu.memory_space<vmem_shared>> -> memref<64x16xf32, #tpu.memory_space<vmem_shared>>
      tpu.wait_dma2 semaphore(%run_scoped3A : memref<!tpu.dma_semaphore, #tpu.memory_space<semaphore_mem>>) src(%arg8 : memref<64x16xf32, #tpu.memory_space<vmem>>) dst(%dma_wait3A_31 : memref<64x16xf32, #tpu.memory_space<vmem_shared>>)
      tpu.yield
    }) : () -> ()
    %add3A_4 = arith.constant 128 : i32
    %add3A_5 = arith.addi %mul3A_0, %add3A_4 : i32
    "tpu.region"() ({
      %run_scoped3A = tpu.sem_alloc : memref<!tpu.dma_semaphore, #tpu.memory_space<semaphore_mem>>
      %dma_start3A = arith.constant 0 : i32
      %dma_start3A_26 = tpu.memref_slice %arg9[%add3A_5, %dma_start3A] : memref<10240x16xf32, #tpu.memory_space<vmem_shared>> -> memref<64x16xf32, #tpu.memory_space<vmem_shared>>
      %dma_start3A_27 = arith.constant 0 : i32
      %dma_start3A_28 = tpu.memref_slice %arg9[%add3A_5, %dma_start3A_27] : memref<10240x16xf32, #tpu.memory_space<vmem_shared>> -> memref<64x16xf32, #tpu.memory_space<vmem_shared>>
      tpu.enqueue_dma source(%arg8 : memref<64x16xf32, #tpu.memory_space<vmem>>) target(%dma_start3A_28 : memref<64x16xf32, #tpu.memory_space<vmem_shared>>) target_semaphore(%run_scoped3A : memref<!tpu.dma_semaphore, #tpu.memory_space<semaphore_mem>>)
      %dma_wait3A = arith.constant 0 : i32
      %dma_wait3A_29 = tpu.memref_slice %arg9[%add3A_5, %dma_wait3A] : memref<10240x16xf32, #tpu.memory_space<vmem_shared>> -> memref<64x16xf32, #tpu.memory_space<vmem_shared>>
      %dma_wait3A_30 = arith.constant 0 : i32
      %dma_wait3A_31 = tpu.memref_slice %arg9[%add3A_5, %dma_wait3A_30] : memref<10240x16xf32, #tpu.memory_space<vmem_shared>> -> memref<64x16xf32, #tpu.memory_space<vmem_shared>>
      tpu.wait_dma2 semaphore(%run_scoped3A : memref<!tpu.dma_semaphore, #tpu.memory_space<semaphore_mem>>) src(%arg8 : memref<64x16xf32, #tpu.memory_space<vmem>>) dst(%dma_wait3A_31 : memref<64x16xf32, #tpu.memory_space<vmem_shared>>)
      tpu.yield
    }) : () -> ()
    %add3A_6 = arith.constant 192 : i32
    %add3A_7 = arith.addi %mul3A_0, %add3A_6 : i32
    "tpu.region"() ({
      %run_scoped3A = tpu.sem_alloc : memref<!tpu.dma_semaphore, #tpu.memory_space<semaphore_mem>>
      %dma_start3A = arith.constant 0 : i32
      %dma_start3A_26 = tpu.memref_slice %arg9[%add3A_7, %dma_start3A] : memref<10240x16xf32, #tpu.memory_space<vmem_shared>> -> memref<64x16xf32, #tpu.memory_space<vmem_shared>>
      %dma_start3A_27 = arith.constant 0 : i32
      %dma_start3A_28 = tpu.memref_slice %arg9[%add3A_7, %dma_start3A_27] : memref<10240x16xf32, #tpu.memory_space<vmem_shared>> -> memref<64x16xf32, #tpu.memory_space<vmem_shared>>
      tpu.enqueue_dma source(%arg8 : memref<64x16xf32, #tpu.memory_space<vmem>>) target(%dma_start3A_28 : memref<64x16xf32, #tpu.memory_space<vmem_shared>>) target_semaphore(%run_scoped3A : memref<!tpu.dma_semaphore, #tpu.memory_space<semaphore_mem>>)
      %dma_wait3A = arith.constant 0 : i32
      %dma_wait3A_29 = tpu.memref_slice %arg9[%add3A_7, %dma_wait3A] : memref<10240x16xf32, #tpu.memory_space<vmem_shared>> -> memref<64x16xf32, #tpu.memory_space<vmem_shared>>
      %dma_wait3A_30 = arith.constant 0 : i32
      %dma_wait3A_31 = tpu.memref_slice %arg9[%add3A_7, %dma_wait3A_30] : memref<10240x16xf32, #tpu.memory_space<vmem_shared>> -> memref<64x16xf32, #tpu.memory_space<vmem_shared>>
      tpu.wait_dma2 semaphore(%run_scoped3A : memref<!tpu.dma_semaphore, #tpu.memory_space<semaphore_mem>>) src(%arg8 : memref<64x16xf32, #tpu.memory_space<vmem>>) dst(%dma_wait3A_31 : memref<64x16xf32, #tpu.memory_space<vmem_shared>>)
      tpu.yield
    }) : () -> ()
    %add3A_8 = arith.constant 256 : i32
    %add3A_9 = arith.addi %mul3A_0, %add3A_8 : i32
    "tpu.region"() ({
      %run_scoped3A = tpu.sem_alloc : memref<!tpu.dma_semaphore, #tpu.memory_space<semaphore_mem>>
      %dma_start3A = arith.constant 0 : i32
      %dma_start3A_26 = tpu.memref_slice %arg9[%add3A_9, %dma_start3A] : memref<10240x16xf32, #tpu.memory_space<vmem_shared>> -> memref<64x16xf32, #tpu.memory_space<vmem_shared>>
      %dma_start3A_27 = arith.constant 0 : i32
      %dma_start3A_28 = tpu.memref_slice %arg9[%add3A_9, %dma_start3A_27] : memref<10240x16xf32, #tpu.memory_space<vmem_shared>> -> memref<64x16xf32, #tpu.memory_space<vmem_shared>>
      tpu.enqueue_dma source(%arg8 : memref<64x16xf32, #tpu.memory_space<vmem>>) target(%dma_start3A_28 : memref<64x16xf32, #tpu.memory_space<vmem_shared>>) target_semaphore(%run_scoped3A : memref<!tpu.dma_semaphore, #tpu.memory_space<semaphore_mem>>)
      %dma_wait3A = arith.constant 0 : i32
      %dma_wait3A_29 = tpu.memref_slice %arg9[%add3A_9, %dma_wait3A] : memref<10240x16xf32, #tpu.memory_space<vmem_shared>> -> memref<64x16xf32, #tpu.memory_space<vmem_shared>>
      %dma_wait3A_30 = arith.constant 0 : i32
      %dma_wait3A_31 = tpu.memref_slice %arg9[%add3A_9, %dma_wait3A_30] : memref<10240x16xf32, #tpu.memory_space<vmem_shared>> -> memref<64x16xf32, #tpu.memory_space<vmem_shared>>
      tpu.wait_dma2 semaphore(%run_scoped3A : memref<!tpu.dma_semaphore, #tpu.memory_space<semaphore_mem>>) src(%arg8 : memref<64x16xf32, #tpu.memory_space<vmem>>) dst(%dma_wait3A_31 : memref<64x16xf32, #tpu.memory_space<vmem_shared>>)
      tpu.yield
    }) : () -> ()
    %add3A_10 = arith.constant 320 : i32
    %add3A_11 = arith.addi %mul3A_0, %add3A_10 : i32
    "tpu.region"() ({
      %run_scoped3A = tpu.sem_alloc : memref<!tpu.dma_semaphore, #tpu.memory_space<semaphore_mem>>
      %dma_start3A = arith.constant 0 : i32
      %dma_start3A_26 = tpu.memref_slice %arg9[%add3A_11, %dma_start3A] : memref<10240x16xf32, #tpu.memory_space<vmem_shared>> -> memref<64x16xf32, #tpu.memory_space<vmem_shared>>
      %dma_start3A_27 = arith.constant 0 : i32
      %dma_start3A_28 = tpu.memref_slice %arg9[%add3A_11, %dma_start3A_27] : memref<10240x16xf32, #tpu.memory_space<vmem_shared>> -> memref<64x16xf32, #tpu.memory_space<vmem_shared>>
      tpu.enqueue_dma source(%arg8 : memref<64x16xf32, #tpu.memory_space<vmem>>) target(%dma_start3A_28 : memref<64x16xf32, #tpu.memory_space<vmem_shared>>) target_semaphore(%run_scoped3A : memref<!tpu.dma_semaphore, #tpu.memory_space<semaphore_mem>>)
      %dma_wait3A = arith.constant 0 : i32
      %dma_wait3A_29 = tpu.memref_slice %arg9[%add3A_11, %dma_wait3A] : memref<10240x16xf32, #tpu.memory_space<vmem_shared>> -> memref<64x16xf32, #tpu.memory_space<vmem_shared>>
      %dma_wait3A_30 = arith.constant 0 : i32
      %dma_wait3A_31 = tpu.memref_slice %arg9[%add3A_11, %dma_wait3A_30] : memref<10240x16xf32, #tpu.memory_space<vmem_shared>> -> memref<64x16xf32, #tpu.memory_space<vmem_shared>>
      tpu.wait_dma2 semaphore(%run_scoped3A : memref<!tpu.dma_semaphore, #tpu.memory_space<semaphore_mem>>) src(%arg8 : memref<64x16xf32, #tpu.memory_space<vmem>>) dst(%dma_wait3A_31 : memref<64x16xf32, #tpu.memory_space<vmem_shared>>)
      tpu.yield
    }) : () -> ()
    %add3A_12 = arith.constant 384 : i32
    %add3A_13 = arith.addi %mul3A_0, %add3A_12 : i32
    "tpu.region"() ({
      %run_scoped3A = tpu.sem_alloc : memref<!tpu.dma_semaphore, #tpu.memory_space<semaphore_mem>>
      %dma_start3A = arith.constant 0 : i32
      %dma_start3A_26 = tpu.memref_slice %arg9[%add3A_13, %dma_start3A] : memref<10240x16xf32, #tpu.memory_space<vmem_shared>> -> memref<64x16xf32, #tpu.memory_space<vmem_shared>>
      %dma_start3A_27 = arith.constant 0 : i32
      %dma_start3A_28 = tpu.memref_slice %arg9[%add3A_13, %dma_start3A_27] : memref<10240x16xf32, #tpu.memory_space<vmem_shared>> -> memref<64x16xf32, #tpu.memory_space<vmem_shared>>
      tpu.enqueue_dma source(%arg8 : memref<64x16xf32, #tpu.memory_space<vmem>>) target(%dma_start3A_28 : memref<64x16xf32, #tpu.memory_space<vmem_shared>>) target_semaphore(%run_scoped3A : memref<!tpu.dma_semaphore, #tpu.memory_space<semaphore_mem>>)
      %dma_wait3A = arith.constant 0 : i32
      %dma_wait3A_29 = tpu.memref_slice %arg9[%add3A_13, %dma_wait3A] : memref<10240x16xf32, #tpu.memory_space<vmem_shared>> -> memref<64x16xf32, #tpu.memory_space<vmem_shared>>
      %dma_wait3A_30 = arith.constant 0 : i32
      %dma_wait3A_31 = tpu.memref_slice %arg9[%add3A_13, %dma_wait3A_30] : memref<10240x16xf32, #tpu.memory_space<vmem_shared>> -> memref<64x16xf32, #tpu.memory_space<vmem_shared>>
      tpu.wait_dma2 semaphore(%run_scoped3A : memref<!tpu.dma_semaphore, #tpu.memory_space<semaphore_mem>>) src(%arg8 : memref<64x16xf32, #tpu.memory_space<vmem>>) dst(%dma_wait3A_31 : memref<64x16xf32, #tpu.memory_space<vmem_shared>>)
      tpu.yield
    }) : () -> ()
    %add3A_14 = arith.constant 448 : i32
    %add3A_15 = arith.addi %mul3A_0, %add3A_14 : i32
    "tpu.region"() ({
      %run_scoped3A = tpu.sem_alloc : memref<!tpu.dma_semaphore, #tpu.memory_space<semaphore_mem>>
      %dma_start3A = arith.constant 0 : i32
      %dma_start3A_26 = tpu.memref_slice %arg9[%add3A_15, %dma_start3A] : memref<10240x16xf32, #tpu.memory_space<vmem_shared>> -> memref<64x16xf32, #tpu.memory_space<vmem_shared>>
      %dma_start3A_27 = arith.constant 0 : i32
      %dma_start3A_28 = tpu.memref_slice %arg9[%add3A_15, %dma_start3A_27] : memref<10240x16xf32, #tpu.memory_space<vmem_shared>> -> memref<64x16xf32, #tpu.memory_space<vmem_shared>>
      tpu.enqueue_dma source(%arg8 : memref<64x16xf32, #tpu.memory_space<vmem>>) target(%dma_start3A_28 : memref<64x16xf32, #tpu.memory_space<vmem_shared>>) target_semaphore(%run_scoped3A : memref<!tpu.dma_semaphore, #tpu.memory_space<semaphore_mem>>)
      %dma_wait3A = arith.constant 0 : i32
      %dma_wait3A_29 = tpu.memref_slice %arg9[%add3A_15, %dma_wait3A] : memref<10240x16xf32, #tpu.memory_space<vmem_shared>> -> memref<64x16xf32, #tpu.memory_space<vmem_shared>>
      %dma_wait3A_30 = arith.constant 0 : i32
      %dma_wait3A_31 = tpu.memref_slice %arg9[%add3A_15, %dma_wait3A_30] : memref<10240x16xf32, #tpu.memory_space<vmem_shared>> -> memref<64x16xf32, #tpu.memory_space<vmem_shared>>
      tpu.wait_dma2 semaphore(%run_scoped3A : memref<!tpu.dma_semaphore, #tpu.memory_space<semaphore_mem>>) src(%arg8 : memref<64x16xf32, #tpu.memory_space<vmem>>) dst(%dma_wait3A_31 : memref<64x16xf32, #tpu.memory_space<vmem_shared>>)
      tpu.yield
    }) : () -> ()
    %add3A_16 = arith.constant 512 : i32
    %add3A_17 = arith.addi %mul3A_0, %add3A_16 : i32
    "tpu.region"() ({
      %run_scoped3A = tpu.sem_alloc : memref<!tpu.dma_semaphore, #tpu.memory_space<semaphore_mem>>
      %dma_start3A = arith.constant 0 : i32
      %dma_start3A_26 = tpu.memref_slice %arg9[%add3A_17, %dma_start3A] : memref<10240x16xf32, #tpu.memory_space<vmem_shared>> -> memref<64x16xf32, #tpu.memory_space<vmem_shared>>
      %dma_start3A_27 = arith.constant 0 : i32
      %dma_start3A_28 = tpu.memref_slice %arg9[%add3A_17, %dma_start3A_27] : memref<10240x16xf32, #tpu.memory_space<vmem_shared>> -> memref<64x16xf32, #tpu.memory_space<vmem_shared>>
      tpu.enqueue_dma source(%arg8 : memref<64x16xf32, #tpu.memory_space<vmem>>) target(%dma_start3A_28 : memref<64x16xf32, #tpu.memory_space<vmem_shared>>) target_semaphore(%run_scoped3A : memref<!tpu.dma_semaphore, #tpu.memory_space<semaphore_mem>>)
      %dma_wait3A = arith.constant 0 : i32
      %dma_wait3A_29 = tpu.memref_slice %arg9[%add3A_17, %dma_wait3A] : memref<10240x16xf32, #tpu.memory_space<vmem_shared>> -> memref<64x16xf32, #tpu.memory_space<vmem_shared>>
      %dma_wait3A_30 = arith.constant 0 : i32
      %dma_wait3A_31 = tpu.memref_slice %arg9[%add3A_17, %dma_wait3A_30] : memref<10240x16xf32, #tpu.memory_space<vmem_shared>> -> memref<64x16xf32, #tpu.memory_space<vmem_shared>>
      tpu.wait_dma2 semaphore(%run_scoped3A : memref<!tpu.dma_semaphore, #tpu.memory_space<semaphore_mem>>) src(%arg8 : memref<64x16xf32, #tpu.memory_space<vmem>>) dst(%dma_wait3A_31 : memref<64x16xf32, #tpu.memory_space<vmem_shared>>)
      tpu.yield
    }) : () -> ()
    %add3A_18 = arith.constant 576 : i32
    %add3A_19 = arith.addi %mul3A_0, %add3A_18 : i32
    "tpu.region"() ({
      %run_scoped3A = tpu.sem_alloc : memref<!tpu.dma_semaphore, #tpu.memory_space<semaphore_mem>>
      %dma_start3A = arith.constant 0 : i32
      %dma_start3A_26 = tpu.memref_slice %arg9[%add3A_19, %dma_start3A] : memref<10240x16xf32, #tpu.memory_space<vmem_shared>> -> memref<64x16xf32, #tpu.memory_space<vmem_shared>>
      %dma_start3A_27 = arith.constant 0 : i32
      %dma_start3A_28 = tpu.memref_slice %arg9[%add3A_19, %dma_start3A_27] : memref<10240x16xf32, #tpu.memory_space<vmem_shared>> -> memref<64x16xf32, #tpu.memory_space<vmem_shared>>
      tpu.enqueue_dma source(%arg8 : memref<64x16xf32, #tpu.memory_space<vmem>>) target(%dma_start3A_28 : memref<64x16xf32, #tpu.memory_space<vmem_shared>>) target_semaphore(%run_scoped3A : memref<!tpu.dma_semaphore, #tpu.memory_space<semaphore_mem>>)
      %dma_wait3A = arith.constant 0 : i32
      %dma_wait3A_29 = tpu.memref_slice %arg9[%add3A_19, %dma_wait3A] : memref<10240x16xf32, #tpu.memory_space<vmem_shared>> -> memref<64x16xf32, #tpu.memory_space<vmem_shared>>
      %dma_wait3A_30 = arith.constant 0 : i32
      %dma_wait3A_31 = tpu.memref_slice %arg9[%add3A_19, %dma_wait3A_30] : memref<10240x16xf32, #tpu.memory_space<vmem_shared>> -> memref<64x16xf32, #tpu.memory_space<vmem_shared>>
      tpu.wait_dma2 semaphore(%run_scoped3A : memref<!tpu.dma_semaphore, #tpu.memory_space<semaphore_mem>>) src(%arg8 : memref<64x16xf32, #tpu.memory_space<vmem>>) dst(%dma_wait3A_31 : memref<64x16xf32, #tpu.memory_space<vmem_shared>>)
      tpu.yield
    }) : () -> ()
    %barrier3A = arith.constant 0 : index
    tpu.barrier barrier_id(%barrier3A)
    %scan3A = arith.constant 0 : i32
    %scan3A_20 = arith.constant 0 : i32
    %scan3A_21 = arith.constant 158 : i32
    %scan3A_22 = arith.addi %scan3A_20, %scan3A_21 : i32
    %scan3A_23 = arith.constant 1 : i32
    scf.for %scan3A_26 = %scan3A_20 to %scan3A_22 step %scan3A_23  : i32 {
      "tpu.region"() ({
        %run_scoped3A = tpu.sem_alloc : memref<!tpu.dma_semaphore, #tpu.memory_space<semaphore_mem>>
        %dma_start3A = arith.constant 0 : i32
        %dma_start3A_27 = tpu.memref_slice %arg6[%scan3A_26, %dma_start3A] : memref<160x128xi32, #tpu.memory_space<vmem>> -> memref<1x128xi32, #tpu.memory_space<vmem>>
        %dma_start3A_28 = tpu.memref_squeeze %dma_start3A_27 : memref<1x128xi32, #tpu.memory_space<vmem>> -> memref<128xi32, #tpu.memory_space<vmem>>
        %dma_start3A_29 = arith.constant 0 : i32
        %dma_start3A_30 = arith.constant 0 : i32
        %dma_start3A_31 = tpu.memref_slice %arg9[%dma_start3A_29, %dma_start3A_30] : memref<10240x16xf32, #tpu.memory_space<vmem_shared>> -> memref<10240x16xf32, #tpu.memory_space<vmem_shared>>
        tpu.enqueue_indirect_dma source(%arg7 : memref<128x16xf32, #tpu.memory_space<vmem>>) target(%dma_start3A_31 : memref<10240x16xf32, #tpu.memory_space<vmem_shared>>) offsets(%dma_start3A_28 : memref<128xi32, #tpu.memory_space<vmem>>) semaphore(%run_scoped3A : memref<!tpu.dma_semaphore, #tpu.memory_space<semaphore_mem>>) {add = true}
        %dma_wait3A = arith.constant 0 : i32
        %dma_wait3A_32 = tpu.memref_slice %arg6[%scan3A_26, %dma_wait3A] : memref<160x128xi32, #tpu.memory_space<vmem>> -> memref<1x128xi32, #tpu.memory_space<vmem>>
        %dma_wait3A_33 = tpu.memref_squeeze %dma_wait3A_32 : memref<1x128xi32, #tpu.memory_space<vmem>> -> memref<128xi32, #tpu.memory_space<vmem>>
        %dma_wait3A_34 = arith.constant 0 : i32
        %dma_wait3A_35 = arith.constant 0 : i32
        %dma_wait3A_36 = tpu.memref_slice %arg9[%dma_wait3A_34, %dma_wait3A_35] : memref<10240x16xf32, #tpu.memory_space<vmem_shared>> -> memref<10240x16xf32, #tpu.memory_space<vmem_shared>>
        tpu.wait_indirect_dma semaphore(%run_scoped3A : memref<!tpu.dma_semaphore, #tpu.memory_space<semaphore_mem>>) src(%arg7 : memref<128x16xf32, #tpu.memory_space<vmem>>) dst(%dma_wait3A_36 : memref<10240x16xf32, #tpu.memory_space<vmem_shared>>)
        tpu.yield
      }) : () -> ()
    }
    %scan3A_24 = arith.constant 158 : i32
    %barrier3A_25 = arith.constant 0 : index
    tpu.barrier barrier_id(%barrier3A_25)
    "tpu.region"() ({
      %run_scoped3A = tpu.sem_alloc : memref<!tpu.dma_semaphore, #tpu.memory_space<semaphore_mem>>
      %dma_start3A = arith.constant 0 : i32
      %dma_start3A_26 = tpu.memref_slice %arg5[%arg0, %mul3A_0, %dma_start3A] : memref<2x10240x16xf32, #tpu.memory_space<hbm>> -> memref<1x640x16xf32, #tpu.memory_space<hbm>>
      %dma_start3A_27 = tpu.memref_squeeze %dma_start3A_26 : memref<1x640x16xf32, #tpu.memory_space<hbm>> -> memref<640x16xf32, #tpu.memory_space<hbm>>
      %dma_start3A_28 = arith.constant 0 : i32
      %dma_start3A_29 = tpu.memref_slice %arg9[%mul3A_0, %dma_start3A_28] : memref<10240x16xf32, #tpu.memory_space<vmem_shared>> -> memref<640x16xf32, #tpu.memory_space<vmem_shared>>
      tpu.enqueue_dma source(%dma_start3A_29 : memref<640x16xf32, #tpu.memory_space<vmem_shared>>) target(%dma_start3A_27 : memref<640x16xf32, #tpu.memory_space<hbm>>) target_semaphore(%run_scoped3A : memref<!tpu.dma_semaphore, #tpu.memory_space<semaphore_mem>>)
      %dma_wait3A = arith.constant 0 : i32
      %dma_wait3A_30 = tpu.memref_slice %arg5[%arg0, %mul3A_0, %dma_wait3A] : memref<2x10240x16xf32, #tpu.memory_space<hbm>> -> memref<1x640x16xf32, #tpu.memory_space<hbm>>
      %dma_wait3A_31 = tpu.memref_squeeze %dma_wait3A_30 : memref<1x640x16xf32, #tpu.memory_space<hbm>> -> memref<640x16xf32, #tpu.memory_space<hbm>>
      %dma_wait3A_32 = arith.constant 0 : i32
      %dma_wait3A_33 = tpu.memref_slice %arg9[%mul3A_0, %dma_wait3A_32] : memref<10240x16xf32, #tpu.memory_space<vmem_shared>> -> memref<640x16xf32, #tpu.memory_space<vmem_shared>>
      tpu.wait_dma2 semaphore(%run_scoped3A : memref<!tpu.dma_semaphore, #tpu.memory_space<semaphore_mem>>) src(%dma_wait3A_33 : memref<640x16xf32, #tpu.memory_space<vmem_shared>>) dst(%dma_wait3A_31 : memref<640x16xf32, #tpu.memory_space<hbm>>)
      tpu.yield
    }) : () -> ()
    return
  }
}

#map = affine_map<(d0, d1) -> (0, 0)>
#map1 = affine_map<(d0, d1) -> (0, 0, 0, 0)>
module attributes {stable_mosaic.version = 14 : i64} {
  func.func @_aggr_body(%arg0: i32, %arg1: i32, %arg2: memref<20000x64xf32, #tpu.memory_space<hbm>>, %arg3: memref<20000x64xf32, #tpu.memory_space<hbm>>, %arg4: memref<2x16x160x128xi32, #tpu.memory_space<hbm>>, %arg5: memref<2x16x160x128xi32, #tpu.memory_space<hbm>>, %arg6: memref<64x64xf32, #tpu.memory_space<hbm>>, %arg7: memref<2x2x10240x64xf32, #tpu.memory_space<hbm>>, %arg8: memref<160x128xi32, #tpu.memory_space<vmem>>, %arg9: memref<160x128xi32, #tpu.memory_space<vmem>>, %arg10: memref<128x64xf32, #tpu.memory_space<vmem>>, %arg11: memref<128x64xf32, #tpu.memory_space<vmem>>, %arg12: memref<64x64xf32, #tpu.memory_space<vmem>>, %arg13: memref<10240x64xf32, #tpu.memory_space<vmem_shared>>, %arg14: memref<!tpu.dma_semaphore, #tpu.memory_space<semaphore_mem>>, %arg15: memref<!tpu.dma_semaphore, #tpu.memory_space<semaphore_mem>>, %arg16: memref<!tpu.dma_semaphore, #tpu.memory_space<semaphore_mem>>, %arg17: memref<!tpu.dma_semaphore, #tpu.memory_space<semaphore_mem>>) attributes {dimension_semantics = [#tpu.dimension_semantics<core_parallel>, #tpu.dimension_semantics<subcore_parallel>], iteration_bounds = array<i64: 2, 16>, scalar_prefetch = 0 : i64, scratch_operands = 10 : i64, tpu.core_type = #tpu.core_type<sc_vector_subcore>, window_params = [{transform_indices = #map}, {transform_indices = #map}, {transform_indices = #map1}, {transform_indices = #map1}, {transform_indices = #map}, {transform_indices = #map1}]} {
    "tpu.region"() ({
      %run_scoped3A_109 = tpu.sem_alloc : memref<!tpu.dma_semaphore, #tpu.memory_space<semaphore_mem>>
      %dma_start3A_110 = arith.constant 0 : i32
      %dma_start3A_111 = arith.constant 0 : i32
      %dma_start3A_112 = tpu.memref_slice %arg4[%arg0, %arg1, %dma_start3A_110, %dma_start3A_111] : memref<2x16x160x128xi32, #tpu.memory_space<hbm>> -> memref<1x1x160x128xi32, #tpu.memory_space<hbm>>
      %dma_start3A_113 = tpu.memref_squeeze %dma_start3A_112 : memref<1x1x160x128xi32, #tpu.memory_space<hbm>> -> memref<160x128xi32, #tpu.memory_space<hbm>>
      %dma_start3A_114 = arith.constant 0 : i32
      %dma_start3A_115 = arith.constant 0 : i32
      %dma_start3A_116 = tpu.memref_slice %arg4[%arg0, %arg1, %dma_start3A_114, %dma_start3A_115] : memref<2x16x160x128xi32, #tpu.memory_space<hbm>> -> memref<1x1x160x128xi32, #tpu.memory_space<hbm>>
      %dma_start3A_117 = tpu.memref_squeeze %dma_start3A_116 : memref<1x1x160x128xi32, #tpu.memory_space<hbm>> -> memref<160x128xi32, #tpu.memory_space<hbm>>
      tpu.enqueue_dma source(%dma_start3A_117 : memref<160x128xi32, #tpu.memory_space<hbm>>) target(%arg8 : memref<160x128xi32, #tpu.memory_space<vmem>>) target_semaphore(%run_scoped3A_109 : memref<!tpu.dma_semaphore, #tpu.memory_space<semaphore_mem>>)
      %dma_wait3A_118 = arith.constant 0 : i32
      %dma_wait3A_119 = arith.constant 0 : i32
      %dma_wait3A_120 = tpu.memref_slice %arg4[%arg0, %arg1, %dma_wait3A_118, %dma_wait3A_119] : memref<2x16x160x128xi32, #tpu.memory_space<hbm>> -> memref<1x1x160x128xi32, #tpu.memory_space<hbm>>
      %dma_wait3A_121 = tpu.memref_squeeze %dma_wait3A_120 : memref<1x1x160x128xi32, #tpu.memory_space<hbm>> -> memref<160x128xi32, #tpu.memory_space<hbm>>
      %dma_wait3A_122 = arith.constant 0 : i32
      %dma_wait3A_123 = arith.constant 0 : i32
      %dma_wait3A_124 = tpu.memref_slice %arg4[%arg0, %arg1, %dma_wait3A_122, %dma_wait3A_123] : memref<2x16x160x128xi32, #tpu.memory_space<hbm>> -> memref<1x1x160x128xi32, #tpu.memory_space<hbm>>
      %dma_wait3A_125 = tpu.memref_squeeze %dma_wait3A_124 : memref<1x1x160x128xi32, #tpu.memory_space<hbm>> -> memref<160x128xi32, #tpu.memory_space<hbm>>
      tpu.wait_dma2 semaphore(%run_scoped3A_109 : memref<!tpu.dma_semaphore, #tpu.memory_space<semaphore_mem>>) src(%dma_wait3A_125 : memref<160x128xi32, #tpu.memory_space<hbm>>) dst(%arg8 : memref<160x128xi32, #tpu.memory_space<vmem>>)
      tpu.yield
    }) : () -> ()
    "tpu.region"() ({
      %run_scoped3A_109 = tpu.sem_alloc : memref<!tpu.dma_semaphore, #tpu.memory_space<semaphore_mem>>
      %dma_start3A_110 = arith.constant 0 : i32
      %dma_start3A_111 = arith.constant 0 : i32
      %dma_start3A_112 = tpu.memref_slice %arg5[%arg0, %arg1, %dma_start3A_110, %dma_start3A_111] : memref<2x16x160x128xi32, #tpu.memory_space<hbm>> -> memref<1x1x160x128xi32, #tpu.memory_space<hbm>>
      %dma_start3A_113 = tpu.memref_squeeze %dma_start3A_112 : memref<1x1x160x128xi32, #tpu.memory_space<hbm>> -> memref<160x128xi32, #tpu.memory_space<hbm>>
      %dma_start3A_114 = arith.constant 0 : i32
      %dma_start3A_115 = arith.constant 0 : i32
      %dma_start3A_116 = tpu.memref_slice %arg5[%arg0, %arg1, %dma_start3A_114, %dma_start3A_115] : memref<2x16x160x128xi32, #tpu.memory_space<hbm>> -> memref<1x1x160x128xi32, #tpu.memory_space<hbm>>
      %dma_start3A_117 = tpu.memref_squeeze %dma_start3A_116 : memref<1x1x160x128xi32, #tpu.memory_space<hbm>> -> memref<160x128xi32, #tpu.memory_space<hbm>>
      tpu.enqueue_dma source(%dma_start3A_117 : memref<160x128xi32, #tpu.memory_space<hbm>>) target(%arg9 : memref<160x128xi32, #tpu.memory_space<vmem>>) target_semaphore(%run_scoped3A_109 : memref<!tpu.dma_semaphore, #tpu.memory_space<semaphore_mem>>)
      %dma_wait3A_118 = arith.constant 0 : i32
      %dma_wait3A_119 = arith.constant 0 : i32
      %dma_wait3A_120 = tpu.memref_slice %arg5[%arg0, %arg1, %dma_wait3A_118, %dma_wait3A_119] : memref<2x16x160x128xi32, #tpu.memory_space<hbm>> -> memref<1x1x160x128xi32, #tpu.memory_space<hbm>>
      %dma_wait3A_121 = tpu.memref_squeeze %dma_wait3A_120 : memref<1x1x160x128xi32, #tpu.memory_space<hbm>> -> memref<160x128xi32, #tpu.memory_space<hbm>>
      %dma_wait3A_122 = arith.constant 0 : i32
      %dma_wait3A_123 = arith.constant 0 : i32
      %dma_wait3A_124 = tpu.memref_slice %arg5[%arg0, %arg1, %dma_wait3A_122, %dma_wait3A_123] : memref<2x16x160x128xi32, #tpu.memory_space<hbm>> -> memref<1x1x160x128xi32, #tpu.memory_space<hbm>>
      %dma_wait3A_125 = tpu.memref_squeeze %dma_wait3A_124 : memref<1x1x160x128xi32, #tpu.memory_space<hbm>> -> memref<160x128xi32, #tpu.memory_space<hbm>>
      tpu.wait_dma2 semaphore(%run_scoped3A_109 : memref<!tpu.dma_semaphore, #tpu.memory_space<semaphore_mem>>) src(%dma_wait3A_125 : memref<160x128xi32, #tpu.memory_space<hbm>>) dst(%arg9 : memref<160x128xi32, #tpu.memory_space<vmem>>)
      tpu.yield
    }) : () -> ()
    "tpu.region"() ({
      %run_scoped3A_109 = tpu.sem_alloc : memref<!tpu.dma_semaphore, #tpu.memory_space<semaphore_mem>>
      tpu.enqueue_dma source(%arg6 : memref<64x64xf32, #tpu.memory_space<hbm>>) target(%arg12 : memref<64x64xf32, #tpu.memory_space<vmem>>) target_semaphore(%run_scoped3A_109 : memref<!tpu.dma_semaphore, #tpu.memory_space<semaphore_mem>>)
      tpu.wait_dma2 semaphore(%run_scoped3A_109 : memref<!tpu.dma_semaphore, #tpu.memory_space<semaphore_mem>>) src(%arg6 : memref<64x64xf32, #tpu.memory_space<hbm>>) dst(%arg12 : memref<64x64xf32, #tpu.memory_space<vmem>>)
      tpu.yield
    }) : () -> ()
    %mul3A = arith.constant 640 : i32
    %mul3A_0 = arith.muli %arg1, %mul3A : i32
    %add3A = arith.constant 0 : i32
    %add3A_1 = arith.addi %mul3A_0, %add3A : i32
    "tpu.region"() ({
      %run_scoped3A_109 = tpu.sem_alloc : memref<!tpu.dma_semaphore, #tpu.memory_space<semaphore_mem>>
      %dma_start3A_110 = arith.constant 0 : i32
      %dma_start3A_111 = tpu.memref_slice %arg13[%add3A_1, %dma_start3A_110] : memref<10240x64xf32, #tpu.memory_space<vmem_shared>> -> memref<64x64xf32, #tpu.memory_space<vmem_shared>>
      %dma_start3A_112 = arith.constant 0 : i32
      %dma_start3A_113 = tpu.memref_slice %arg13[%add3A_1, %dma_start3A_112] : memref<10240x64xf32, #tpu.memory_space<vmem_shared>> -> memref<64x64xf32, #tpu.memory_space<vmem_shared>>
      tpu.enqueue_dma source(%arg12 : memref<64x64xf32, #tpu.memory_space<vmem>>) target(%dma_start3A_113 : memref<64x64xf32, #tpu.memory_space<vmem_shared>>) target_semaphore(%run_scoped3A_109 : memref<!tpu.dma_semaphore, #tpu.memory_space<semaphore_mem>>)
      %dma_wait3A_114 = arith.constant 0 : i32
      %dma_wait3A_115 = tpu.memref_slice %arg13[%add3A_1, %dma_wait3A_114] : memref<10240x64xf32, #tpu.memory_space<vmem_shared>> -> memref<64x64xf32, #tpu.memory_space<vmem_shared>>
      %dma_wait3A_116 = arith.constant 0 : i32
      %dma_wait3A_117 = tpu.memref_slice %arg13[%add3A_1, %dma_wait3A_116] : memref<10240x64xf32, #tpu.memory_space<vmem_shared>> -> memref<64x64xf32, #tpu.memory_space<vmem_shared>>
      tpu.wait_dma2 semaphore(%run_scoped3A_109 : memref<!tpu.dma_semaphore, #tpu.memory_space<semaphore_mem>>) src(%arg12 : memref<64x64xf32, #tpu.memory_space<vmem>>) dst(%dma_wait3A_117 : memref<64x64xf32, #tpu.memory_space<vmem_shared>>)
      tpu.yield
    }) : () -> ()
    %add3A_2 = arith.constant 64 : i32
    %add3A_3 = arith.addi %mul3A_0, %add3A_2 : i32
    "tpu.region"() ({
      %run_scoped3A_109 = tpu.sem_alloc : memref<!tpu.dma_semaphore, #tpu.memory_space<semaphore_mem>>
      %dma_start3A_110 = arith.constant 0 : i32
      %dma_start3A_111 = tpu.memref_slice %arg13[%add3A_3, %dma_start3A_110] : memref<10240x64xf32, #tpu.memory_space<vmem_shared>> -> memref<64x64xf32, #tpu.memory_space<vmem_shared>>
      %dma_start3A_112 = arith.constant 0 : i32
      %dma_start3A_113 = tpu.memref_slice %arg13[%add3A_3, %dma_start3A_112] : memref<10240x64xf32, #tpu.memory_space<vmem_shared>> -> memref<64x64xf32, #tpu.memory_space<vmem_shared>>
      tpu.enqueue_dma source(%arg12 : memref<64x64xf32, #tpu.memory_space<vmem>>) target(%dma_start3A_113 : memref<64x64xf32, #tpu.memory_space<vmem_shared>>) target_semaphore(%run_scoped3A_109 : memref<!tpu.dma_semaphore, #tpu.memory_space<semaphore_mem>>)
      %dma_wait3A_114 = arith.constant 0 : i32
      %dma_wait3A_115 = tpu.memref_slice %arg13[%add3A_3, %dma_wait3A_114] : memref<10240x64xf32, #tpu.memory_space<vmem_shared>> -> memref<64x64xf32, #tpu.memory_space<vmem_shared>>
      %dma_wait3A_116 = arith.constant 0 : i32
      %dma_wait3A_117 = tpu.memref_slice %arg13[%add3A_3, %dma_wait3A_116] : memref<10240x64xf32, #tpu.memory_space<vmem_shared>> -> memref<64x64xf32, #tpu.memory_space<vmem_shared>>
      tpu.wait_dma2 semaphore(%run_scoped3A_109 : memref<!tpu.dma_semaphore, #tpu.memory_space<semaphore_mem>>) src(%arg12 : memref<64x64xf32, #tpu.memory_space<vmem>>) dst(%dma_wait3A_117 : memref<64x64xf32, #tpu.memory_space<vmem_shared>>)
      tpu.yield
    }) : () -> ()
    %add3A_4 = arith.constant 128 : i32
    %add3A_5 = arith.addi %mul3A_0, %add3A_4 : i32
    "tpu.region"() ({
      %run_scoped3A_109 = tpu.sem_alloc : memref<!tpu.dma_semaphore, #tpu.memory_space<semaphore_mem>>
      %dma_start3A_110 = arith.constant 0 : i32
      %dma_start3A_111 = tpu.memref_slice %arg13[%add3A_5, %dma_start3A_110] : memref<10240x64xf32, #tpu.memory_space<vmem_shared>> -> memref<64x64xf32, #tpu.memory_space<vmem_shared>>
      %dma_start3A_112 = arith.constant 0 : i32
      %dma_start3A_113 = tpu.memref_slice %arg13[%add3A_5, %dma_start3A_112] : memref<10240x64xf32, #tpu.memory_space<vmem_shared>> -> memref<64x64xf32, #tpu.memory_space<vmem_shared>>
      tpu.enqueue_dma source(%arg12 : memref<64x64xf32, #tpu.memory_space<vmem>>) target(%dma_start3A_113 : memref<64x64xf32, #tpu.memory_space<vmem_shared>>) target_semaphore(%run_scoped3A_109 : memref<!tpu.dma_semaphore, #tpu.memory_space<semaphore_mem>>)
      %dma_wait3A_114 = arith.constant 0 : i32
      %dma_wait3A_115 = tpu.memref_slice %arg13[%add3A_5, %dma_wait3A_114] : memref<10240x64xf32, #tpu.memory_space<vmem_shared>> -> memref<64x64xf32, #tpu.memory_space<vmem_shared>>
      %dma_wait3A_116 = arith.constant 0 : i32
      %dma_wait3A_117 = tpu.memref_slice %arg13[%add3A_5, %dma_wait3A_116] : memref<10240x64xf32, #tpu.memory_space<vmem_shared>> -> memref<64x64xf32, #tpu.memory_space<vmem_shared>>
      tpu.wait_dma2 semaphore(%run_scoped3A_109 : memref<!tpu.dma_semaphore, #tpu.memory_space<semaphore_mem>>) src(%arg12 : memref<64x64xf32, #tpu.memory_space<vmem>>) dst(%dma_wait3A_117 : memref<64x64xf32, #tpu.memory_space<vmem_shared>>)
      tpu.yield
    }) : () -> ()
    %add3A_6 = arith.constant 192 : i32
    %add3A_7 = arith.addi %mul3A_0, %add3A_6 : i32
    "tpu.region"() ({
      %run_scoped3A_109 = tpu.sem_alloc : memref<!tpu.dma_semaphore, #tpu.memory_space<semaphore_mem>>
      %dma_start3A_110 = arith.constant 0 : i32
      %dma_start3A_111 = tpu.memref_slice %arg13[%add3A_7, %dma_start3A_110] : memref<10240x64xf32, #tpu.memory_space<vmem_shared>> -> memref<64x64xf32, #tpu.memory_space<vmem_shared>>
      %dma_start3A_112 = arith.constant 0 : i32
      %dma_start3A_113 = tpu.memref_slice %arg13[%add3A_7, %dma_start3A_112] : memref<10240x64xf32, #tpu.memory_space<vmem_shared>> -> memref<64x64xf32, #tpu.memory_space<vmem_shared>>
      tpu.enqueue_dma source(%arg12 : memref<64x64xf32, #tpu.memory_space<vmem>>) target(%dma_start3A_113 : memref<64x64xf32, #tpu.memory_space<vmem_shared>>) target_semaphore(%run_scoped3A_109 : memref<!tpu.dma_semaphore, #tpu.memory_space<semaphore_mem>>)
      %dma_wait3A_114 = arith.constant 0 : i32
      %dma_wait3A_115 = tpu.memref_slice %arg13[%add3A_7, %dma_wait3A_114] : memref<10240x64xf32, #tpu.memory_space<vmem_shared>> -> memref<64x64xf32, #tpu.memory_space<vmem_shared>>
      %dma_wait3A_116 = arith.constant 0 : i32
      %dma_wait3A_117 = tpu.memref_slice %arg13[%add3A_7, %dma_wait3A_116] : memref<10240x64xf32, #tpu.memory_space<vmem_shared>> -> memref<64x64xf32, #tpu.memory_space<vmem_shared>>
      tpu.wait_dma2 semaphore(%run_scoped3A_109 : memref<!tpu.dma_semaphore, #tpu.memory_space<semaphore_mem>>) src(%arg12 : memref<64x64xf32, #tpu.memory_space<vmem>>) dst(%dma_wait3A_117 : memref<64x64xf32, #tpu.memory_space<vmem_shared>>)
      tpu.yield
    }) : () -> ()
    %add3A_8 = arith.constant 256 : i32
    %add3A_9 = arith.addi %mul3A_0, %add3A_8 : i32
    "tpu.region"() ({
      %run_scoped3A_109 = tpu.sem_alloc : memref<!tpu.dma_semaphore, #tpu.memory_space<semaphore_mem>>
      %dma_start3A_110 = arith.constant 0 : i32
      %dma_start3A_111 = tpu.memref_slice %arg13[%add3A_9, %dma_start3A_110] : memref<10240x64xf32, #tpu.memory_space<vmem_shared>> -> memref<64x64xf32, #tpu.memory_space<vmem_shared>>
      %dma_start3A_112 = arith.constant 0 : i32
      %dma_start3A_113 = tpu.memref_slice %arg13[%add3A_9, %dma_start3A_112] : memref<10240x64xf32, #tpu.memory_space<vmem_shared>> -> memref<64x64xf32, #tpu.memory_space<vmem_shared>>
      tpu.enqueue_dma source(%arg12 : memref<64x64xf32, #tpu.memory_space<vmem>>) target(%dma_start3A_113 : memref<64x64xf32, #tpu.memory_space<vmem_shared>>) target_semaphore(%run_scoped3A_109 : memref<!tpu.dma_semaphore, #tpu.memory_space<semaphore_mem>>)
      %dma_wait3A_114 = arith.constant 0 : i32
      %dma_wait3A_115 = tpu.memref_slice %arg13[%add3A_9, %dma_wait3A_114] : memref<10240x64xf32, #tpu.memory_space<vmem_shared>> -> memref<64x64xf32, #tpu.memory_space<vmem_shared>>
      %dma_wait3A_116 = arith.constant 0 : i32
      %dma_wait3A_117 = tpu.memref_slice %arg13[%add3A_9, %dma_wait3A_116] : memref<10240x64xf32, #tpu.memory_space<vmem_shared>> -> memref<64x64xf32, #tpu.memory_space<vmem_shared>>
      tpu.wait_dma2 semaphore(%run_scoped3A_109 : memref<!tpu.dma_semaphore, #tpu.memory_space<semaphore_mem>>) src(%arg12 : memref<64x64xf32, #tpu.memory_space<vmem>>) dst(%dma_wait3A_117 : memref<64x64xf32, #tpu.memory_space<vmem_shared>>)
      tpu.yield
    }) : () -> ()
    %add3A_10 = arith.constant 320 : i32
    %add3A_11 = arith.addi %mul3A_0, %add3A_10 : i32
    "tpu.region"() ({
      %run_scoped3A_109 = tpu.sem_alloc : memref<!tpu.dma_semaphore, #tpu.memory_space<semaphore_mem>>
      %dma_start3A_110 = arith.constant 0 : i32
      %dma_start3A_111 = tpu.memref_slice %arg13[%add3A_11, %dma_start3A_110] : memref<10240x64xf32, #tpu.memory_space<vmem_shared>> -> memref<64x64xf32, #tpu.memory_space<vmem_shared>>
      %dma_start3A_112 = arith.constant 0 : i32
      %dma_start3A_113 = tpu.memref_slice %arg13[%add3A_11, %dma_start3A_112] : memref<10240x64xf32, #tpu.memory_space<vmem_shared>> -> memref<64x64xf32, #tpu.memory_space<vmem_shared>>
      tpu.enqueue_dma source(%arg12 : memref<64x64xf32, #tpu.memory_space<vmem>>) target(%dma_start3A_113 : memref<64x64xf32, #tpu.memory_space<vmem_shared>>) target_semaphore(%run_scoped3A_109 : memref<!tpu.dma_semaphore, #tpu.memory_space<semaphore_mem>>)
      %dma_wait3A_114 = arith.constant 0 : i32
      %dma_wait3A_115 = tpu.memref_slice %arg13[%add3A_11, %dma_wait3A_114] : memref<10240x64xf32, #tpu.memory_space<vmem_shared>> -> memref<64x64xf32, #tpu.memory_space<vmem_shared>>
      %dma_wait3A_116 = arith.constant 0 : i32
      %dma_wait3A_117 = tpu.memref_slice %arg13[%add3A_11, %dma_wait3A_116] : memref<10240x64xf32, #tpu.memory_space<vmem_shared>> -> memref<64x64xf32, #tpu.memory_space<vmem_shared>>
      tpu.wait_dma2 semaphore(%run_scoped3A_109 : memref<!tpu.dma_semaphore, #tpu.memory_space<semaphore_mem>>) src(%arg12 : memref<64x64xf32, #tpu.memory_space<vmem>>) dst(%dma_wait3A_117 : memref<64x64xf32, #tpu.memory_space<vmem_shared>>)
      tpu.yield
    }) : () -> ()
    %add3A_12 = arith.constant 384 : i32
    %add3A_13 = arith.addi %mul3A_0, %add3A_12 : i32
    "tpu.region"() ({
      %run_scoped3A_109 = tpu.sem_alloc : memref<!tpu.dma_semaphore, #tpu.memory_space<semaphore_mem>>
      %dma_start3A_110 = arith.constant 0 : i32
      %dma_start3A_111 = tpu.memref_slice %arg13[%add3A_13, %dma_start3A_110] : memref<10240x64xf32, #tpu.memory_space<vmem_shared>> -> memref<64x64xf32, #tpu.memory_space<vmem_shared>>
      %dma_start3A_112 = arith.constant 0 : i32
      %dma_start3A_113 = tpu.memref_slice %arg13[%add3A_13, %dma_start3A_112] : memref<10240x64xf32, #tpu.memory_space<vmem_shared>> -> memref<64x64xf32, #tpu.memory_space<vmem_shared>>
      tpu.enqueue_dma source(%arg12 : memref<64x64xf32, #tpu.memory_space<vmem>>) target(%dma_start3A_113 : memref<64x64xf32, #tpu.memory_space<vmem_shared>>) target_semaphore(%run_scoped3A_109 : memref<!tpu.dma_semaphore, #tpu.memory_space<semaphore_mem>>)
      %dma_wait3A_114 = arith.constant 0 : i32
      %dma_wait3A_115 = tpu.memref_slice %arg13[%add3A_13, %dma_wait3A_114] : memref<10240x64xf32, #tpu.memory_space<vmem_shared>> -> memref<64x64xf32, #tpu.memory_space<vmem_shared>>
      %dma_wait3A_116 = arith.constant 0 : i32
      %dma_wait3A_117 = tpu.memref_slice %arg13[%add3A_13, %dma_wait3A_116] : memref<10240x64xf32, #tpu.memory_space<vmem_shared>> -> memref<64x64xf32, #tpu.memory_space<vmem_shared>>
      tpu.wait_dma2 semaphore(%run_scoped3A_109 : memref<!tpu.dma_semaphore, #tpu.memory_space<semaphore_mem>>) src(%arg12 : memref<64x64xf32, #tpu.memory_space<vmem>>) dst(%dma_wait3A_117 : memref<64x64xf32, #tpu.memory_space<vmem_shared>>)
      tpu.yield
    }) : () -> ()
    %add3A_14 = arith.constant 448 : i32
    %add3A_15 = arith.addi %mul3A_0, %add3A_14 : i32
    "tpu.region"() ({
      %run_scoped3A_109 = tpu.sem_alloc : memref<!tpu.dma_semaphore, #tpu.memory_space<semaphore_mem>>
      %dma_start3A_110 = arith.constant 0 : i32
      %dma_start3A_111 = tpu.memref_slice %arg13[%add3A_15, %dma_start3A_110] : memref<10240x64xf32, #tpu.memory_space<vmem_shared>> -> memref<64x64xf32, #tpu.memory_space<vmem_shared>>
      %dma_start3A_112 = arith.constant 0 : i32
      %dma_start3A_113 = tpu.memref_slice %arg13[%add3A_15, %dma_start3A_112] : memref<10240x64xf32, #tpu.memory_space<vmem_shared>> -> memref<64x64xf32, #tpu.memory_space<vmem_shared>>
      tpu.enqueue_dma source(%arg12 : memref<64x64xf32, #tpu.memory_space<vmem>>) target(%dma_start3A_113 : memref<64x64xf32, #tpu.memory_space<vmem_shared>>) target_semaphore(%run_scoped3A_109 : memref<!tpu.dma_semaphore, #tpu.memory_space<semaphore_mem>>)
      %dma_wait3A_114 = arith.constant 0 : i32
      %dma_wait3A_115 = tpu.memref_slice %arg13[%add3A_15, %dma_wait3A_114] : memref<10240x64xf32, #tpu.memory_space<vmem_shared>> -> memref<64x64xf32, #tpu.memory_space<vmem_shared>>
      %dma_wait3A_116 = arith.constant 0 : i32
      %dma_wait3A_117 = tpu.memref_slice %arg13[%add3A_15, %dma_wait3A_116] : memref<10240x64xf32, #tpu.memory_space<vmem_shared>> -> memref<64x64xf32, #tpu.memory_space<vmem_shared>>
      tpu.wait_dma2 semaphore(%run_scoped3A_109 : memref<!tpu.dma_semaphore, #tpu.memory_space<semaphore_mem>>) src(%arg12 : memref<64x64xf32, #tpu.memory_space<vmem>>) dst(%dma_wait3A_117 : memref<64x64xf32, #tpu.memory_space<vmem_shared>>)
      tpu.yield
    }) : () -> ()
    %add3A_16 = arith.constant 512 : i32
    %add3A_17 = arith.addi %mul3A_0, %add3A_16 : i32
    "tpu.region"() ({
      %run_scoped3A_109 = tpu.sem_alloc : memref<!tpu.dma_semaphore, #tpu.memory_space<semaphore_mem>>
      %dma_start3A_110 = arith.constant 0 : i32
      %dma_start3A_111 = tpu.memref_slice %arg13[%add3A_17, %dma_start3A_110] : memref<10240x64xf32, #tpu.memory_space<vmem_shared>> -> memref<64x64xf32, #tpu.memory_space<vmem_shared>>
      %dma_start3A_112 = arith.constant 0 : i32
      %dma_start3A_113 = tpu.memref_slice %arg13[%add3A_17, %dma_start3A_112] : memref<10240x64xf32, #tpu.memory_space<vmem_shared>> -> memref<64x64xf32, #tpu.memory_space<vmem_shared>>
      tpu.enqueue_dma source(%arg12 : memref<64x64xf32, #tpu.memory_space<vmem>>) target(%dma_start3A_113 : memref<64x64xf32, #tpu.memory_space<vmem_shared>>) target_semaphore(%run_scoped3A_109 : memref<!tpu.dma_semaphore, #tpu.memory_space<semaphore_mem>>)
      %dma_wait3A_114 = arith.constant 0 : i32
      %dma_wait3A_115 = tpu.memref_slice %arg13[%add3A_17, %dma_wait3A_114] : memref<10240x64xf32, #tpu.memory_space<vmem_shared>> -> memref<64x64xf32, #tpu.memory_space<vmem_shared>>
      %dma_wait3A_116 = arith.constant 0 : i32
      %dma_wait3A_117 = tpu.memref_slice %arg13[%add3A_17, %dma_wait3A_116] : memref<10240x64xf32, #tpu.memory_space<vmem_shared>> -> memref<64x64xf32, #tpu.memory_space<vmem_shared>>
      tpu.wait_dma2 semaphore(%run_scoped3A_109 : memref<!tpu.dma_semaphore, #tpu.memory_space<semaphore_mem>>) src(%arg12 : memref<64x64xf32, #tpu.memory_space<vmem>>) dst(%dma_wait3A_117 : memref<64x64xf32, #tpu.memory_space<vmem_shared>>)
      tpu.yield
    }) : () -> ()
    %add3A_18 = arith.constant 576 : i32
    %add3A_19 = arith.addi %mul3A_0, %add3A_18 : i32
    "tpu.region"() ({
      %run_scoped3A_109 = tpu.sem_alloc : memref<!tpu.dma_semaphore, #tpu.memory_space<semaphore_mem>>
      %dma_start3A_110 = arith.constant 0 : i32
      %dma_start3A_111 = tpu.memref_slice %arg13[%add3A_19, %dma_start3A_110] : memref<10240x64xf32, #tpu.memory_space<vmem_shared>> -> memref<64x64xf32, #tpu.memory_space<vmem_shared>>
      %dma_start3A_112 = arith.constant 0 : i32
      %dma_start3A_113 = tpu.memref_slice %arg13[%add3A_19, %dma_start3A_112] : memref<10240x64xf32, #tpu.memory_space<vmem_shared>> -> memref<64x64xf32, #tpu.memory_space<vmem_shared>>
      tpu.enqueue_dma source(%arg12 : memref<64x64xf32, #tpu.memory_space<vmem>>) target(%dma_start3A_113 : memref<64x64xf32, #tpu.memory_space<vmem_shared>>) target_semaphore(%run_scoped3A_109 : memref<!tpu.dma_semaphore, #tpu.memory_space<semaphore_mem>>)
      %dma_wait3A_114 = arith.constant 0 : i32
      %dma_wait3A_115 = tpu.memref_slice %arg13[%add3A_19, %dma_wait3A_114] : memref<10240x64xf32, #tpu.memory_space<vmem_shared>> -> memref<64x64xf32, #tpu.memory_space<vmem_shared>>
      %dma_wait3A_116 = arith.constant 0 : i32
      %dma_wait3A_117 = tpu.memref_slice %arg13[%add3A_19, %dma_wait3A_116] : memref<10240x64xf32, #tpu.memory_space<vmem_shared>> -> memref<64x64xf32, #tpu.memory_space<vmem_shared>>
      tpu.wait_dma2 semaphore(%run_scoped3A_109 : memref<!tpu.dma_semaphore, #tpu.memory_space<semaphore_mem>>) src(%arg12 : memref<64x64xf32, #tpu.memory_space<vmem>>) dst(%dma_wait3A_117 : memref<64x64xf32, #tpu.memory_space<vmem_shared>>)
      tpu.yield
    }) : () -> ()
    %barrier3A = arith.constant 0 : index
    tpu.barrier barrier_id(%barrier3A)
    %dma_start3A = arith.constant 0 : i32
    %dma_start3A_20 = arith.constant 0 : i32
    %dma_start3A_21 = tpu.memref_slice %arg8[%dma_start3A, %dma_start3A_20] : memref<160x128xi32, #tpu.memory_space<vmem>> -> memref<1x128xi32, #tpu.memory_space<vmem>>
    %dma_start3A_22 = tpu.memref_squeeze %dma_start3A_21 : memref<1x128xi32, #tpu.memory_space<vmem>> -> memref<128xi32, #tpu.memory_space<vmem>>
    %dma_start3A_23 = arith.constant 0 : i32
    %dma_start3A_24 = arith.constant 0 : i32
    %dma_start3A_25 = tpu.memref_slice %arg2[%dma_start3A_23, %dma_start3A_24] : memref<20000x64xf32, #tpu.memory_space<hbm>> -> memref<20000x64xf32, #tpu.memory_space<hbm>>
    tpu.enqueue_indirect_dma source(%dma_start3A_25 : memref<20000x64xf32, #tpu.memory_space<hbm>>) target(%arg10 : memref<128x64xf32, #tpu.memory_space<vmem>>) offsets(%dma_start3A_22 : memref<128xi32, #tpu.memory_space<vmem>>) semaphore(%arg14 : memref<!tpu.dma_semaphore, #tpu.memory_space<semaphore_mem>>)
    %dma_start3A_26 = arith.constant 1 : i32
    %dma_start3A_27 = arith.constant 0 : i32
    %dma_start3A_28 = tpu.memref_slice %arg8[%dma_start3A_26, %dma_start3A_27] : memref<160x128xi32, #tpu.memory_space<vmem>> -> memref<1x128xi32, #tpu.memory_space<vmem>>
    %dma_start3A_29 = tpu.memref_squeeze %dma_start3A_28 : memref<1x128xi32, #tpu.memory_space<vmem>> -> memref<128xi32, #tpu.memory_space<vmem>>
    %dma_start3A_30 = arith.constant 0 : i32
    %dma_start3A_31 = arith.constant 0 : i32
    %dma_start3A_32 = tpu.memref_slice %arg2[%dma_start3A_30, %dma_start3A_31] : memref<20000x64xf32, #tpu.memory_space<hbm>> -> memref<20000x64xf32, #tpu.memory_space<hbm>>
    tpu.enqueue_indirect_dma source(%dma_start3A_32 : memref<20000x64xf32, #tpu.memory_space<hbm>>) target(%arg11 : memref<128x64xf32, #tpu.memory_space<vmem>>) offsets(%dma_start3A_29 : memref<128xi32, #tpu.memory_space<vmem>>) semaphore(%arg15 : memref<!tpu.dma_semaphore, #tpu.memory_space<semaphore_mem>>)
    %scan3A = arith.constant 0 : i32
    %scan3A_33 = arith.constant 0 : i32
    %scan3A_34 = arith.constant 79 : i32
    %scan3A_35 = arith.addi %scan3A_33, %scan3A_34 : i32
    %scan3A_36 = arith.constant 1 : i32
    scf.for %scan3A_109 = %scan3A_33 to %scan3A_35 step %scan3A_36  : i32 {
      %mul3A_110 = arith.constant 2 : i32
      %mul3A_111 = arith.muli %mul3A_110, %scan3A_109 : i32
      %dma_wait3A_112 = arith.constant 0 : i32
      %dma_wait3A_113 = tpu.memref_slice %arg8[%mul3A_111, %dma_wait3A_112] : memref<160x128xi32, #tpu.memory_space<vmem>> -> memref<1x128xi32, #tpu.memory_space<vmem>>
      %dma_wait3A_114 = tpu.memref_squeeze %dma_wait3A_113 : memref<1x128xi32, #tpu.memory_space<vmem>> -> memref<128xi32, #tpu.memory_space<vmem>>
      %dma_wait3A_115 = arith.constant 0 : i32
      %dma_wait3A_116 = arith.constant 0 : i32
      %dma_wait3A_117 = tpu.memref_slice %arg2[%dma_wait3A_115, %dma_wait3A_116] : memref<20000x64xf32, #tpu.memory_space<hbm>> -> memref<20000x64xf32, #tpu.memory_space<hbm>>
      tpu.wait_indirect_dma semaphore(%arg14 : memref<!tpu.dma_semaphore, #tpu.memory_space<semaphore_mem>>) src(%dma_wait3A_117 : memref<20000x64xf32, #tpu.memory_space<hbm>>) dst(%arg10 : memref<128x64xf32, #tpu.memory_space<vmem>>)
      %dma_start3A_118 = arith.constant 0 : i32
      %dma_start3A_119 = tpu.memref_slice %arg9[%mul3A_111, %dma_start3A_118] : memref<160x128xi32, #tpu.memory_space<vmem>> -> memref<1x128xi32, #tpu.memory_space<vmem>>
      %dma_start3A_120 = tpu.memref_squeeze %dma_start3A_119 : memref<1x128xi32, #tpu.memory_space<vmem>> -> memref<128xi32, #tpu.memory_space<vmem>>
      %dma_start3A_121 = arith.constant 0 : i32
      %dma_start3A_122 = arith.constant 0 : i32
      %dma_start3A_123 = tpu.memref_slice %arg13[%dma_start3A_121, %dma_start3A_122] : memref<10240x64xf32, #tpu.memory_space<vmem_shared>> -> memref<10240x64xf32, #tpu.memory_space<vmem_shared>>
      tpu.enqueue_indirect_dma source(%arg10 : memref<128x64xf32, #tpu.memory_space<vmem>>) target(%dma_start3A_123 : memref<10240x64xf32, #tpu.memory_space<vmem_shared>>) offsets(%dma_start3A_120 : memref<128xi32, #tpu.memory_space<vmem>>) semaphore(%arg16 : memref<!tpu.dma_semaphore, #tpu.memory_space<semaphore_mem>>) {add = true}
      %dma_wait3A_124 = arith.constant 0 : i32
      %dma_wait3A_125 = tpu.memref_slice %arg9[%mul3A_111, %dma_wait3A_124] : memref<160x128xi32, #tpu.memory_space<vmem>> -> memref<1x128xi32, #tpu.memory_space<vmem>>
      %dma_wait3A_126 = tpu.memref_squeeze %dma_wait3A_125 : memref<1x128xi32, #tpu.memory_space<vmem>> -> memref<128xi32, #tpu.memory_space<vmem>>
      %dma_wait3A_127 = arith.constant 0 : i32
      %dma_wait3A_128 = arith.constant 0 : i32
      %dma_wait3A_129 = tpu.memref_slice %arg13[%dma_wait3A_127, %dma_wait3A_128] : memref<10240x64xf32, #tpu.memory_space<vmem_shared>> -> memref<10240x64xf32, #tpu.memory_space<vmem_shared>>
      tpu.wait_indirect_dma semaphore(%arg16 : memref<!tpu.dma_semaphore, #tpu.memory_space<semaphore_mem>>) src(%arg10 : memref<128x64xf32, #tpu.memory_space<vmem>>) dst(%dma_wait3A_129 : memref<10240x64xf32, #tpu.memory_space<vmem_shared>>)
      %add3A_130 = arith.constant 2 : i32
      %add3A_131 = arith.addi %mul3A_111, %add3A_130 : i32
      %dma_start3A_132 = arith.constant 0 : i32
      %dma_start3A_133 = tpu.memref_slice %arg8[%add3A_131, %dma_start3A_132] : memref<160x128xi32, #tpu.memory_space<vmem>> -> memref<1x128xi32, #tpu.memory_space<vmem>>
      %dma_start3A_134 = tpu.memref_squeeze %dma_start3A_133 : memref<1x128xi32, #tpu.memory_space<vmem>> -> memref<128xi32, #tpu.memory_space<vmem>>
      %dma_start3A_135 = arith.constant 0 : i32
      %dma_start3A_136 = arith.constant 0 : i32
      %dma_start3A_137 = tpu.memref_slice %arg2[%dma_start3A_135, %dma_start3A_136] : memref<20000x64xf32, #tpu.memory_space<hbm>> -> memref<20000x64xf32, #tpu.memory_space<hbm>>
      tpu.enqueue_indirect_dma source(%dma_start3A_137 : memref<20000x64xf32, #tpu.memory_space<hbm>>) target(%arg10 : memref<128x64xf32, #tpu.memory_space<vmem>>) offsets(%dma_start3A_134 : memref<128xi32, #tpu.memory_space<vmem>>) semaphore(%arg14 : memref<!tpu.dma_semaphore, #tpu.memory_space<semaphore_mem>>)
      %add3A_138 = arith.constant 1 : i32
      %add3A_139 = arith.addi %mul3A_111, %add3A_138 : i32
      %dma_wait3A_140 = arith.constant 0 : i32
      %dma_wait3A_141 = tpu.memref_slice %arg8[%add3A_139, %dma_wait3A_140] : memref<160x128xi32, #tpu.memory_space<vmem>> -> memref<1x128xi32, #tpu.memory_space<vmem>>
      %dma_wait3A_142 = tpu.memref_squeeze %dma_wait3A_141 : memref<1x128xi32, #tpu.memory_space<vmem>> -> memref<128xi32, #tpu.memory_space<vmem>>
      %dma_wait3A_143 = arith.constant 0 : i32
      %dma_wait3A_144 = arith.constant 0 : i32
      %dma_wait3A_145 = tpu.memref_slice %arg2[%dma_wait3A_143, %dma_wait3A_144] : memref<20000x64xf32, #tpu.memory_space<hbm>> -> memref<20000x64xf32, #tpu.memory_space<hbm>>
      tpu.wait_indirect_dma semaphore(%arg15 : memref<!tpu.dma_semaphore, #tpu.memory_space<semaphore_mem>>) src(%dma_wait3A_145 : memref<20000x64xf32, #tpu.memory_space<hbm>>) dst(%arg11 : memref<128x64xf32, #tpu.memory_space<vmem>>)
      %add3A_146 = arith.constant 1 : i32
      %add3A_147 = arith.addi %mul3A_111, %add3A_146 : i32
      %dma_start3A_148 = arith.constant 0 : i32
      %dma_start3A_149 = tpu.memref_slice %arg9[%add3A_147, %dma_start3A_148] : memref<160x128xi32, #tpu.memory_space<vmem>> -> memref<1x128xi32, #tpu.memory_space<vmem>>
      %dma_start3A_150 = tpu.memref_squeeze %dma_start3A_149 : memref<1x128xi32, #tpu.memory_space<vmem>> -> memref<128xi32, #tpu.memory_space<vmem>>
      %dma_start3A_151 = arith.constant 0 : i32
      %dma_start3A_152 = arith.constant 0 : i32
      %dma_start3A_153 = tpu.memref_slice %arg13[%dma_start3A_151, %dma_start3A_152] : memref<10240x64xf32, #tpu.memory_space<vmem_shared>> -> memref<10240x64xf32, #tpu.memory_space<vmem_shared>>
      tpu.enqueue_indirect_dma source(%arg11 : memref<128x64xf32, #tpu.memory_space<vmem>>) target(%dma_start3A_153 : memref<10240x64xf32, #tpu.memory_space<vmem_shared>>) offsets(%dma_start3A_150 : memref<128xi32, #tpu.memory_space<vmem>>) semaphore(%arg17 : memref<!tpu.dma_semaphore, #tpu.memory_space<semaphore_mem>>) {add = true}
      %dma_wait3A_154 = arith.constant 0 : i32
      %dma_wait3A_155 = tpu.memref_slice %arg9[%add3A_147, %dma_wait3A_154] : memref<160x128xi32, #tpu.memory_space<vmem>> -> memref<1x128xi32, #tpu.memory_space<vmem>>
      %dma_wait3A_156 = tpu.memref_squeeze %dma_wait3A_155 : memref<1x128xi32, #tpu.memory_space<vmem>> -> memref<128xi32, #tpu.memory_space<vmem>>
      %dma_wait3A_157 = arith.constant 0 : i32
      %dma_wait3A_158 = arith.constant 0 : i32
      %dma_wait3A_159 = tpu.memref_slice %arg13[%dma_wait3A_157, %dma_wait3A_158] : memref<10240x64xf32, #tpu.memory_space<vmem_shared>> -> memref<10240x64xf32, #tpu.memory_space<vmem_shared>>
      tpu.wait_indirect_dma semaphore(%arg17 : memref<!tpu.dma_semaphore, #tpu.memory_space<semaphore_mem>>) src(%arg11 : memref<128x64xf32, #tpu.memory_space<vmem>>) dst(%dma_wait3A_159 : memref<10240x64xf32, #tpu.memory_space<vmem_shared>>)
      %add3A_160 = arith.constant 3 : i32
      %add3A_161 = arith.addi %mul3A_111, %add3A_160 : i32
      %dma_start3A_162 = arith.constant 0 : i32
      %dma_start3A_163 = tpu.memref_slice %arg8[%add3A_161, %dma_start3A_162] : memref<160x128xi32, #tpu.memory_space<vmem>> -> memref<1x128xi32, #tpu.memory_space<vmem>>
      %dma_start3A_164 = tpu.memref_squeeze %dma_start3A_163 : memref<1x128xi32, #tpu.memory_space<vmem>> -> memref<128xi32, #tpu.memory_space<vmem>>
      %dma_start3A_165 = arith.constant 0 : i32
      %dma_start3A_166 = arith.constant 0 : i32
      %dma_start3A_167 = tpu.memref_slice %arg2[%dma_start3A_165, %dma_start3A_166] : memref<20000x64xf32, #tpu.memory_space<hbm>> -> memref<20000x64xf32, #tpu.memory_space<hbm>>
      tpu.enqueue_indirect_dma source(%dma_start3A_167 : memref<20000x64xf32, #tpu.memory_space<hbm>>) target(%arg11 : memref<128x64xf32, #tpu.memory_space<vmem>>) offsets(%dma_start3A_164 : memref<128xi32, #tpu.memory_space<vmem>>) semaphore(%arg15 : memref<!tpu.dma_semaphore, #tpu.memory_space<semaphore_mem>>)
    }
    %scan3A_37 = arith.constant 79 : i32
    %dma_wait3A = arith.constant 158 : i32
    %dma_wait3A_38 = arith.constant 0 : i32
    %dma_wait3A_39 = tpu.memref_slice %arg8[%dma_wait3A, %dma_wait3A_38] : memref<160x128xi32, #tpu.memory_space<vmem>> -> memref<1x128xi32, #tpu.memory_space<vmem>>
    %dma_wait3A_40 = tpu.memref_squeeze %dma_wait3A_39 : memref<1x128xi32, #tpu.memory_space<vmem>> -> memref<128xi32, #tpu.memory_space<vmem>>
    %dma_wait3A_41 = arith.constant 0 : i32
    %dma_wait3A_42 = arith.constant 0 : i32
    %dma_wait3A_43 = tpu.memref_slice %arg2[%dma_wait3A_41, %dma_wait3A_42] : memref<20000x64xf32, #tpu.memory_space<hbm>> -> memref<20000x64xf32, #tpu.memory_space<hbm>>
    tpu.wait_indirect_dma semaphore(%arg14 : memref<!tpu.dma_semaphore, #tpu.memory_space<semaphore_mem>>) src(%dma_wait3A_43 : memref<20000x64xf32, #tpu.memory_space<hbm>>) dst(%arg10 : memref<128x64xf32, #tpu.memory_space<vmem>>)
    %dma_wait3A_44 = arith.constant 159 : i32
    %dma_wait3A_45 = arith.constant 0 : i32
    %dma_wait3A_46 = tpu.memref_slice %arg8[%dma_wait3A_44, %dma_wait3A_45] : memref<160x128xi32, #tpu.memory_space<vmem>> -> memref<1x128xi32, #tpu.memory_space<vmem>>
    %dma_wait3A_47 = tpu.memref_squeeze %dma_wait3A_46 : memref<1x128xi32, #tpu.memory_space<vmem>> -> memref<128xi32, #tpu.memory_space<vmem>>
    %dma_wait3A_48 = arith.constant 0 : i32
    %dma_wait3A_49 = arith.constant 0 : i32
    %dma_wait3A_50 = tpu.memref_slice %arg2[%dma_wait3A_48, %dma_wait3A_49] : memref<20000x64xf32, #tpu.memory_space<hbm>> -> memref<20000x64xf32, #tpu.memory_space<hbm>>
    tpu.wait_indirect_dma semaphore(%arg15 : memref<!tpu.dma_semaphore, #tpu.memory_space<semaphore_mem>>) src(%dma_wait3A_50 : memref<20000x64xf32, #tpu.memory_space<hbm>>) dst(%arg11 : memref<128x64xf32, #tpu.memory_space<vmem>>)
    %barrier3A_51 = arith.constant 0 : index
    tpu.barrier barrier_id(%barrier3A_51)
    %run_scoped3A = arith.constant 0 : i32
    "tpu.region"() ({
      %run_scoped3A_109 = tpu.sem_alloc : memref<!tpu.dma_semaphore, #tpu.memory_space<semaphore_mem>>
      %dma_start3A_110 = arith.constant 0 : i32
      %dma_start3A_111 = tpu.memref_slice %arg7[%run_scoped3A, %arg0, %mul3A_0, %dma_start3A_110] : memref<2x2x10240x64xf32, #tpu.memory_space<hbm>> -> memref<1x1x640x64xf32, #tpu.memory_space<hbm>>
      %dma_start3A_112 = tpu.memref_squeeze %dma_start3A_111 : memref<1x1x640x64xf32, #tpu.memory_space<hbm>> -> memref<640x64xf32, #tpu.memory_space<hbm>>
      %dma_start3A_113 = arith.constant 0 : i32
      %dma_start3A_114 = tpu.memref_slice %arg13[%mul3A_0, %dma_start3A_113] : memref<10240x64xf32, #tpu.memory_space<vmem_shared>> -> memref<640x64xf32, #tpu.memory_space<vmem_shared>>
      tpu.enqueue_dma source(%dma_start3A_114 : memref<640x64xf32, #tpu.memory_space<vmem_shared>>) target(%dma_start3A_112 : memref<640x64xf32, #tpu.memory_space<hbm>>) target_semaphore(%run_scoped3A_109 : memref<!tpu.dma_semaphore, #tpu.memory_space<semaphore_mem>>)
      %dma_wait3A_115 = arith.constant 0 : i32
      %dma_wait3A_116 = tpu.memref_slice %arg7[%run_scoped3A, %arg0, %mul3A_0, %dma_wait3A_115] : memref<2x2x10240x64xf32, #tpu.memory_space<hbm>> -> memref<1x1x640x64xf32, #tpu.memory_space<hbm>>
      %dma_wait3A_117 = tpu.memref_squeeze %dma_wait3A_116 : memref<1x1x640x64xf32, #tpu.memory_space<hbm>> -> memref<640x64xf32, #tpu.memory_space<hbm>>
      %dma_wait3A_118 = arith.constant 0 : i32
      %dma_wait3A_119 = tpu.memref_slice %arg13[%mul3A_0, %dma_wait3A_118] : memref<10240x64xf32, #tpu.memory_space<vmem_shared>> -> memref<640x64xf32, #tpu.memory_space<vmem_shared>>
      tpu.wait_dma2 semaphore(%run_scoped3A_109 : memref<!tpu.dma_semaphore, #tpu.memory_space<semaphore_mem>>) src(%dma_wait3A_119 : memref<640x64xf32, #tpu.memory_space<vmem_shared>>) dst(%dma_wait3A_117 : memref<640x64xf32, #tpu.memory_space<hbm>>)
      tpu.yield
    }) : () -> ()
    %add3A_52 = arith.constant 0 : i32
    %add3A_53 = arith.addi %mul3A_0, %add3A_52 : i32
    "tpu.region"() ({
      %run_scoped3A_109 = tpu.sem_alloc : memref<!tpu.dma_semaphore, #tpu.memory_space<semaphore_mem>>
      %dma_start3A_110 = arith.constant 0 : i32
      %dma_start3A_111 = tpu.memref_slice %arg13[%add3A_53, %dma_start3A_110] : memref<10240x64xf32, #tpu.memory_space<vmem_shared>> -> memref<64x64xf32, #tpu.memory_space<vmem_shared>>
      %dma_start3A_112 = arith.constant 0 : i32
      %dma_start3A_113 = tpu.memref_slice %arg13[%add3A_53, %dma_start3A_112] : memref<10240x64xf32, #tpu.memory_space<vmem_shared>> -> memref<64x64xf32, #tpu.memory_space<vmem_shared>>
      tpu.enqueue_dma source(%arg12 : memref<64x64xf32, #tpu.memory_space<vmem>>) target(%dma_start3A_113 : memref<64x64xf32, #tpu.memory_space<vmem_shared>>) target_semaphore(%run_scoped3A_109 : memref<!tpu.dma_semaphore, #tpu.memory_space<semaphore_mem>>)
      %dma_wait3A_114 = arith.constant 0 : i32
      %dma_wait3A_115 = tpu.memref_slice %arg13[%add3A_53, %dma_wait3A_114] : memref<10240x64xf32, #tpu.memory_space<vmem_shared>> -> memref<64x64xf32, #tpu.memory_space<vmem_shared>>
      %dma_wait3A_116 = arith.constant 0 : i32
      %dma_wait3A_117 = tpu.memref_slice %arg13[%add3A_53, %dma_wait3A_116] : memref<10240x64xf32, #tpu.memory_space<vmem_shared>> -> memref<64x64xf32, #tpu.memory_space<vmem_shared>>
      tpu.wait_dma2 semaphore(%run_scoped3A_109 : memref<!tpu.dma_semaphore, #tpu.memory_space<semaphore_mem>>) src(%arg12 : memref<64x64xf32, #tpu.memory_space<vmem>>) dst(%dma_wait3A_117 : memref<64x64xf32, #tpu.memory_space<vmem_shared>>)
      tpu.yield
    }) : () -> ()
    %add3A_54 = arith.constant 64 : i32
    %add3A_55 = arith.addi %mul3A_0, %add3A_54 : i32
    "tpu.region"() ({
      %run_scoped3A_109 = tpu.sem_alloc : memref<!tpu.dma_semaphore, #tpu.memory_space<semaphore_mem>>
      %dma_start3A_110 = arith.constant 0 : i32
      %dma_start3A_111 = tpu.memref_slice %arg13[%add3A_55, %dma_start3A_110] : memref<10240x64xf32, #tpu.memory_space<vmem_shared>> -> memref<64x64xf32, #tpu.memory_space<vmem_shared>>
      %dma_start3A_112 = arith.constant 0 : i32
      %dma_start3A_113 = tpu.memref_slice %arg13[%add3A_55, %dma_start3A_112] : memref<10240x64xf32, #tpu.memory_space<vmem_shared>> -> memref<64x64xf32, #tpu.memory_space<vmem_shared>>
      tpu.enqueue_dma source(%arg12 : memref<64x64xf32, #tpu.memory_space<vmem>>) target(%dma_start3A_113 : memref<64x64xf32, #tpu.memory_space<vmem_shared>>) target_semaphore(%run_scoped3A_109 : memref<!tpu.dma_semaphore, #tpu.memory_space<semaphore_mem>>)
      %dma_wait3A_114 = arith.constant 0 : i32
      %dma_wait3A_115 = tpu.memref_slice %arg13[%add3A_55, %dma_wait3A_114] : memref<10240x64xf32, #tpu.memory_space<vmem_shared>> -> memref<64x64xf32, #tpu.memory_space<vmem_shared>>
      %dma_wait3A_116 = arith.constant 0 : i32
      %dma_wait3A_117 = tpu.memref_slice %arg13[%add3A_55, %dma_wait3A_116] : memref<10240x64xf32, #tpu.memory_space<vmem_shared>> -> memref<64x64xf32, #tpu.memory_space<vmem_shared>>
      tpu.wait_dma2 semaphore(%run_scoped3A_109 : memref<!tpu.dma_semaphore, #tpu.memory_space<semaphore_mem>>) src(%arg12 : memref<64x64xf32, #tpu.memory_space<vmem>>) dst(%dma_wait3A_117 : memref<64x64xf32, #tpu.memory_space<vmem_shared>>)
      tpu.yield
    }) : () -> ()
    %add3A_56 = arith.constant 128 : i32
    %add3A_57 = arith.addi %mul3A_0, %add3A_56 : i32
    "tpu.region"() ({
      %run_scoped3A_109 = tpu.sem_alloc : memref<!tpu.dma_semaphore, #tpu.memory_space<semaphore_mem>>
      %dma_start3A_110 = arith.constant 0 : i32
      %dma_start3A_111 = tpu.memref_slice %arg13[%add3A_57, %dma_start3A_110] : memref<10240x64xf32, #tpu.memory_space<vmem_shared>> -> memref<64x64xf32, #tpu.memory_space<vmem_shared>>
      %dma_start3A_112 = arith.constant 0 : i32
      %dma_start3A_113 = tpu.memref_slice %arg13[%add3A_57, %dma_start3A_112] : memref<10240x64xf32, #tpu.memory_space<vmem_shared>> -> memref<64x64xf32, #tpu.memory_space<vmem_shared>>
      tpu.enqueue_dma source(%arg12 : memref<64x64xf32, #tpu.memory_space<vmem>>) target(%dma_start3A_113 : memref<64x64xf32, #tpu.memory_space<vmem_shared>>) target_semaphore(%run_scoped3A_109 : memref<!tpu.dma_semaphore, #tpu.memory_space<semaphore_mem>>)
      %dma_wait3A_114 = arith.constant 0 : i32
      %dma_wait3A_115 = tpu.memref_slice %arg13[%add3A_57, %dma_wait3A_114] : memref<10240x64xf32, #tpu.memory_space<vmem_shared>> -> memref<64x64xf32, #tpu.memory_space<vmem_shared>>
      %dma_wait3A_116 = arith.constant 0 : i32
      %dma_wait3A_117 = tpu.memref_slice %arg13[%add3A_57, %dma_wait3A_116] : memref<10240x64xf32, #tpu.memory_space<vmem_shared>> -> memref<64x64xf32, #tpu.memory_space<vmem_shared>>
      tpu.wait_dma2 semaphore(%run_scoped3A_109 : memref<!tpu.dma_semaphore, #tpu.memory_space<semaphore_mem>>) src(%arg12 : memref<64x64xf32, #tpu.memory_space<vmem>>) dst(%dma_wait3A_117 : memref<64x64xf32, #tpu.memory_space<vmem_shared>>)
      tpu.yield
    }) : () -> ()
    %add3A_58 = arith.constant 192 : i32
    %add3A_59 = arith.addi %mul3A_0, %add3A_58 : i32
    "tpu.region"() ({
      %run_scoped3A_109 = tpu.sem_alloc : memref<!tpu.dma_semaphore, #tpu.memory_space<semaphore_mem>>
      %dma_start3A_110 = arith.constant 0 : i32
      %dma_start3A_111 = tpu.memref_slice %arg13[%add3A_59, %dma_start3A_110] : memref<10240x64xf32, #tpu.memory_space<vmem_shared>> -> memref<64x64xf32, #tpu.memory_space<vmem_shared>>
      %dma_start3A_112 = arith.constant 0 : i32
      %dma_start3A_113 = tpu.memref_slice %arg13[%add3A_59, %dma_start3A_112] : memref<10240x64xf32, #tpu.memory_space<vmem_shared>> -> memref<64x64xf32, #tpu.memory_space<vmem_shared>>
      tpu.enqueue_dma source(%arg12 : memref<64x64xf32, #tpu.memory_space<vmem>>) target(%dma_start3A_113 : memref<64x64xf32, #tpu.memory_space<vmem_shared>>) target_semaphore(%run_scoped3A_109 : memref<!tpu.dma_semaphore, #tpu.memory_space<semaphore_mem>>)
      %dma_wait3A_114 = arith.constant 0 : i32
      %dma_wait3A_115 = tpu.memref_slice %arg13[%add3A_59, %dma_wait3A_114] : memref<10240x64xf32, #tpu.memory_space<vmem_shared>> -> memref<64x64xf32, #tpu.memory_space<vmem_shared>>
      %dma_wait3A_116 = arith.constant 0 : i32
      %dma_wait3A_117 = tpu.memref_slice %arg13[%add3A_59, %dma_wait3A_116] : memref<10240x64xf32, #tpu.memory_space<vmem_shared>> -> memref<64x64xf32, #tpu.memory_space<vmem_shared>>
      tpu.wait_dma2 semaphore(%run_scoped3A_109 : memref<!tpu.dma_semaphore, #tpu.memory_space<semaphore_mem>>) src(%arg12 : memref<64x64xf32, #tpu.memory_space<vmem>>) dst(%dma_wait3A_117 : memref<64x64xf32, #tpu.memory_space<vmem_shared>>)
      tpu.yield
    }) : () -> ()
    %add3A_60 = arith.constant 256 : i32
    %add3A_61 = arith.addi %mul3A_0, %add3A_60 : i32
    "tpu.region"() ({
      %run_scoped3A_109 = tpu.sem_alloc : memref<!tpu.dma_semaphore, #tpu.memory_space<semaphore_mem>>
      %dma_start3A_110 = arith.constant 0 : i32
      %dma_start3A_111 = tpu.memref_slice %arg13[%add3A_61, %dma_start3A_110] : memref<10240x64xf32, #tpu.memory_space<vmem_shared>> -> memref<64x64xf32, #tpu.memory_space<vmem_shared>>
      %dma_start3A_112 = arith.constant 0 : i32
      %dma_start3A_113 = tpu.memref_slice %arg13[%add3A_61, %dma_start3A_112] : memref<10240x64xf32, #tpu.memory_space<vmem_shared>> -> memref<64x64xf32, #tpu.memory_space<vmem_shared>>
      tpu.enqueue_dma source(%arg12 : memref<64x64xf32, #tpu.memory_space<vmem>>) target(%dma_start3A_113 : memref<64x64xf32, #tpu.memory_space<vmem_shared>>) target_semaphore(%run_scoped3A_109 : memref<!tpu.dma_semaphore, #tpu.memory_space<semaphore_mem>>)
      %dma_wait3A_114 = arith.constant 0 : i32
      %dma_wait3A_115 = tpu.memref_slice %arg13[%add3A_61, %dma_wait3A_114] : memref<10240x64xf32, #tpu.memory_space<vmem_shared>> -> memref<64x64xf32, #tpu.memory_space<vmem_shared>>
      %dma_wait3A_116 = arith.constant 0 : i32
      %dma_wait3A_117 = tpu.memref_slice %arg13[%add3A_61, %dma_wait3A_116] : memref<10240x64xf32, #tpu.memory_space<vmem_shared>> -> memref<64x64xf32, #tpu.memory_space<vmem_shared>>
      tpu.wait_dma2 semaphore(%run_scoped3A_109 : memref<!tpu.dma_semaphore, #tpu.memory_space<semaphore_mem>>) src(%arg12 : memref<64x64xf32, #tpu.memory_space<vmem>>) dst(%dma_wait3A_117 : memref<64x64xf32, #tpu.memory_space<vmem_shared>>)
      tpu.yield
    }) : () -> ()
    %add3A_62 = arith.constant 320 : i32
    %add3A_63 = arith.addi %mul3A_0, %add3A_62 : i32
    "tpu.region"() ({
      %run_scoped3A_109 = tpu.sem_alloc : memref<!tpu.dma_semaphore, #tpu.memory_space<semaphore_mem>>
      %dma_start3A_110 = arith.constant 0 : i32
      %dma_start3A_111 = tpu.memref_slice %arg13[%add3A_63, %dma_start3A_110] : memref<10240x64xf32, #tpu.memory_space<vmem_shared>> -> memref<64x64xf32, #tpu.memory_space<vmem_shared>>
      %dma_start3A_112 = arith.constant 0 : i32
      %dma_start3A_113 = tpu.memref_slice %arg13[%add3A_63, %dma_start3A_112] : memref<10240x64xf32, #tpu.memory_space<vmem_shared>> -> memref<64x64xf32, #tpu.memory_space<vmem_shared>>
      tpu.enqueue_dma source(%arg12 : memref<64x64xf32, #tpu.memory_space<vmem>>) target(%dma_start3A_113 : memref<64x64xf32, #tpu.memory_space<vmem_shared>>) target_semaphore(%run_scoped3A_109 : memref<!tpu.dma_semaphore, #tpu.memory_space<semaphore_mem>>)
      %dma_wait3A_114 = arith.constant 0 : i32
      %dma_wait3A_115 = tpu.memref_slice %arg13[%add3A_63, %dma_wait3A_114] : memref<10240x64xf32, #tpu.memory_space<vmem_shared>> -> memref<64x64xf32, #tpu.memory_space<vmem_shared>>
      %dma_wait3A_116 = arith.constant 0 : i32
      %dma_wait3A_117 = tpu.memref_slice %arg13[%add3A_63, %dma_wait3A_116] : memref<10240x64xf32, #tpu.memory_space<vmem_shared>> -> memref<64x64xf32, #tpu.memory_space<vmem_shared>>
      tpu.wait_dma2 semaphore(%run_scoped3A_109 : memref<!tpu.dma_semaphore, #tpu.memory_space<semaphore_mem>>) src(%arg12 : memref<64x64xf32, #tpu.memory_space<vmem>>) dst(%dma_wait3A_117 : memref<64x64xf32, #tpu.memory_space<vmem_shared>>)
      tpu.yield
    }) : () -> ()
    %add3A_64 = arith.constant 384 : i32
    %add3A_65 = arith.addi %mul3A_0, %add3A_64 : i32
    "tpu.region"() ({
      %run_scoped3A_109 = tpu.sem_alloc : memref<!tpu.dma_semaphore, #tpu.memory_space<semaphore_mem>>
      %dma_start3A_110 = arith.constant 0 : i32
      %dma_start3A_111 = tpu.memref_slice %arg13[%add3A_65, %dma_start3A_110] : memref<10240x64xf32, #tpu.memory_space<vmem_shared>> -> memref<64x64xf32, #tpu.memory_space<vmem_shared>>
      %dma_start3A_112 = arith.constant 0 : i32
      %dma_start3A_113 = tpu.memref_slice %arg13[%add3A_65, %dma_start3A_112] : memref<10240x64xf32, #tpu.memory_space<vmem_shared>> -> memref<64x64xf32, #tpu.memory_space<vmem_shared>>
      tpu.enqueue_dma source(%arg12 : memref<64x64xf32, #tpu.memory_space<vmem>>) target(%dma_start3A_113 : memref<64x64xf32, #tpu.memory_space<vmem_shared>>) target_semaphore(%run_scoped3A_109 : memref<!tpu.dma_semaphore, #tpu.memory_space<semaphore_mem>>)
      %dma_wait3A_114 = arith.constant 0 : i32
      %dma_wait3A_115 = tpu.memref_slice %arg13[%add3A_65, %dma_wait3A_114] : memref<10240x64xf32, #tpu.memory_space<vmem_shared>> -> memref<64x64xf32, #tpu.memory_space<vmem_shared>>
      %dma_wait3A_116 = arith.constant 0 : i32
      %dma_wait3A_117 = tpu.memref_slice %arg13[%add3A_65, %dma_wait3A_116] : memref<10240x64xf32, #tpu.memory_space<vmem_shared>> -> memref<64x64xf32, #tpu.memory_space<vmem_shared>>
      tpu.wait_dma2 semaphore(%run_scoped3A_109 : memref<!tpu.dma_semaphore, #tpu.memory_space<semaphore_mem>>) src(%arg12 : memref<64x64xf32, #tpu.memory_space<vmem>>) dst(%dma_wait3A_117 : memref<64x64xf32, #tpu.memory_space<vmem_shared>>)
      tpu.yield
    }) : () -> ()
    %add3A_66 = arith.constant 448 : i32
    %add3A_67 = arith.addi %mul3A_0, %add3A_66 : i32
    "tpu.region"() ({
      %run_scoped3A_109 = tpu.sem_alloc : memref<!tpu.dma_semaphore, #tpu.memory_space<semaphore_mem>>
      %dma_start3A_110 = arith.constant 0 : i32
      %dma_start3A_111 = tpu.memref_slice %arg13[%add3A_67, %dma_start3A_110] : memref<10240x64xf32, #tpu.memory_space<vmem_shared>> -> memref<64x64xf32, #tpu.memory_space<vmem_shared>>
      %dma_start3A_112 = arith.constant 0 : i32
      %dma_start3A_113 = tpu.memref_slice %arg13[%add3A_67, %dma_start3A_112] : memref<10240x64xf32, #tpu.memory_space<vmem_shared>> -> memref<64x64xf32, #tpu.memory_space<vmem_shared>>
      tpu.enqueue_dma source(%arg12 : memref<64x64xf32, #tpu.memory_space<vmem>>) target(%dma_start3A_113 : memref<64x64xf32, #tpu.memory_space<vmem_shared>>) target_semaphore(%run_scoped3A_109 : memref<!tpu.dma_semaphore, #tpu.memory_space<semaphore_mem>>)
      %dma_wait3A_114 = arith.constant 0 : i32
      %dma_wait3A_115 = tpu.memref_slice %arg13[%add3A_67, %dma_wait3A_114] : memref<10240x64xf32, #tpu.memory_space<vmem_shared>> -> memref<64x64xf32, #tpu.memory_space<vmem_shared>>
      %dma_wait3A_116 = arith.constant 0 : i32
      %dma_wait3A_117 = tpu.memref_slice %arg13[%add3A_67, %dma_wait3A_116] : memref<10240x64xf32, #tpu.memory_space<vmem_shared>> -> memref<64x64xf32, #tpu.memory_space<vmem_shared>>
      tpu.wait_dma2 semaphore(%run_scoped3A_109 : memref<!tpu.dma_semaphore, #tpu.memory_space<semaphore_mem>>) src(%arg12 : memref<64x64xf32, #tpu.memory_space<vmem>>) dst(%dma_wait3A_117 : memref<64x64xf32, #tpu.memory_space<vmem_shared>>)
      tpu.yield
    }) : () -> ()
    %add3A_68 = arith.constant 512 : i32
    %add3A_69 = arith.addi %mul3A_0, %add3A_68 : i32
    "tpu.region"() ({
      %run_scoped3A_109 = tpu.sem_alloc : memref<!tpu.dma_semaphore, #tpu.memory_space<semaphore_mem>>
      %dma_start3A_110 = arith.constant 0 : i32
      %dma_start3A_111 = tpu.memref_slice %arg13[%add3A_69, %dma_start3A_110] : memref<10240x64xf32, #tpu.memory_space<vmem_shared>> -> memref<64x64xf32, #tpu.memory_space<vmem_shared>>
      %dma_start3A_112 = arith.constant 0 : i32
      %dma_start3A_113 = tpu.memref_slice %arg13[%add3A_69, %dma_start3A_112] : memref<10240x64xf32, #tpu.memory_space<vmem_shared>> -> memref<64x64xf32, #tpu.memory_space<vmem_shared>>
      tpu.enqueue_dma source(%arg12 : memref<64x64xf32, #tpu.memory_space<vmem>>) target(%dma_start3A_113 : memref<64x64xf32, #tpu.memory_space<vmem_shared>>) target_semaphore(%run_scoped3A_109 : memref<!tpu.dma_semaphore, #tpu.memory_space<semaphore_mem>>)
      %dma_wait3A_114 = arith.constant 0 : i32
      %dma_wait3A_115 = tpu.memref_slice %arg13[%add3A_69, %dma_wait3A_114] : memref<10240x64xf32, #tpu.memory_space<vmem_shared>> -> memref<64x64xf32, #tpu.memory_space<vmem_shared>>
      %dma_wait3A_116 = arith.constant 0 : i32
      %dma_wait3A_117 = tpu.memref_slice %arg13[%add3A_69, %dma_wait3A_116] : memref<10240x64xf32, #tpu.memory_space<vmem_shared>> -> memref<64x64xf32, #tpu.memory_space<vmem_shared>>
      tpu.wait_dma2 semaphore(%run_scoped3A_109 : memref<!tpu.dma_semaphore, #tpu.memory_space<semaphore_mem>>) src(%arg12 : memref<64x64xf32, #tpu.memory_space<vmem>>) dst(%dma_wait3A_117 : memref<64x64xf32, #tpu.memory_space<vmem_shared>>)
      tpu.yield
    }) : () -> ()
    %add3A_70 = arith.constant 576 : i32
    %add3A_71 = arith.addi %mul3A_0, %add3A_70 : i32
    "tpu.region"() ({
      %run_scoped3A_109 = tpu.sem_alloc : memref<!tpu.dma_semaphore, #tpu.memory_space<semaphore_mem>>
      %dma_start3A_110 = arith.constant 0 : i32
      %dma_start3A_111 = tpu.memref_slice %arg13[%add3A_71, %dma_start3A_110] : memref<10240x64xf32, #tpu.memory_space<vmem_shared>> -> memref<64x64xf32, #tpu.memory_space<vmem_shared>>
      %dma_start3A_112 = arith.constant 0 : i32
      %dma_start3A_113 = tpu.memref_slice %arg13[%add3A_71, %dma_start3A_112] : memref<10240x64xf32, #tpu.memory_space<vmem_shared>> -> memref<64x64xf32, #tpu.memory_space<vmem_shared>>
      tpu.enqueue_dma source(%arg12 : memref<64x64xf32, #tpu.memory_space<vmem>>) target(%dma_start3A_113 : memref<64x64xf32, #tpu.memory_space<vmem_shared>>) target_semaphore(%run_scoped3A_109 : memref<!tpu.dma_semaphore, #tpu.memory_space<semaphore_mem>>)
      %dma_wait3A_114 = arith.constant 0 : i32
      %dma_wait3A_115 = tpu.memref_slice %arg13[%add3A_71, %dma_wait3A_114] : memref<10240x64xf32, #tpu.memory_space<vmem_shared>> -> memref<64x64xf32, #tpu.memory_space<vmem_shared>>
      %dma_wait3A_116 = arith.constant 0 : i32
      %dma_wait3A_117 = tpu.memref_slice %arg13[%add3A_71, %dma_wait3A_116] : memref<10240x64xf32, #tpu.memory_space<vmem_shared>> -> memref<64x64xf32, #tpu.memory_space<vmem_shared>>
      tpu.wait_dma2 semaphore(%run_scoped3A_109 : memref<!tpu.dma_semaphore, #tpu.memory_space<semaphore_mem>>) src(%arg12 : memref<64x64xf32, #tpu.memory_space<vmem>>) dst(%dma_wait3A_117 : memref<64x64xf32, #tpu.memory_space<vmem_shared>>)
      tpu.yield
    }) : () -> ()
    %barrier3A_72 = arith.constant 0 : index
    tpu.barrier barrier_id(%barrier3A_72)
    %dma_start3A_73 = arith.constant 0 : i32
    %dma_start3A_74 = arith.constant 0 : i32
    %dma_start3A_75 = tpu.memref_slice %arg8[%dma_start3A_73, %dma_start3A_74] : memref<160x128xi32, #tpu.memory_space<vmem>> -> memref<1x128xi32, #tpu.memory_space<vmem>>
    %dma_start3A_76 = tpu.memref_squeeze %dma_start3A_75 : memref<1x128xi32, #tpu.memory_space<vmem>> -> memref<128xi32, #tpu.memory_space<vmem>>
    %dma_start3A_77 = arith.constant 0 : i32
    %dma_start3A_78 = arith.constant 0 : i32
    %dma_start3A_79 = tpu.memref_slice %arg3[%dma_start3A_77, %dma_start3A_78] : memref<20000x64xf32, #tpu.memory_space<hbm>> -> memref<20000x64xf32, #tpu.memory_space<hbm>>
    tpu.enqueue_indirect_dma source(%dma_start3A_79 : memref<20000x64xf32, #tpu.memory_space<hbm>>) target(%arg10 : memref<128x64xf32, #tpu.memory_space<vmem>>) offsets(%dma_start3A_76 : memref<128xi32, #tpu.memory_space<vmem>>) semaphore(%arg14 : memref<!tpu.dma_semaphore, #tpu.memory_space<semaphore_mem>>)
    %dma_start3A_80 = arith.constant 1 : i32
    %dma_start3A_81 = arith.constant 0 : i32
    %dma_start3A_82 = tpu.memref_slice %arg8[%dma_start3A_80, %dma_start3A_81] : memref<160x128xi32, #tpu.memory_space<vmem>> -> memref<1x128xi32, #tpu.memory_space<vmem>>
    %dma_start3A_83 = tpu.memref_squeeze %dma_start3A_82 : memref<1x128xi32, #tpu.memory_space<vmem>> -> memref<128xi32, #tpu.memory_space<vmem>>
    %dma_start3A_84 = arith.constant 0 : i32
    %dma_start3A_85 = arith.constant 0 : i32
    %dma_start3A_86 = tpu.memref_slice %arg3[%dma_start3A_84, %dma_start3A_85] : memref<20000x64xf32, #tpu.memory_space<hbm>> -> memref<20000x64xf32, #tpu.memory_space<hbm>>
    tpu.enqueue_indirect_dma source(%dma_start3A_86 : memref<20000x64xf32, #tpu.memory_space<hbm>>) target(%arg11 : memref<128x64xf32, #tpu.memory_space<vmem>>) offsets(%dma_start3A_83 : memref<128xi32, #tpu.memory_space<vmem>>) semaphore(%arg15 : memref<!tpu.dma_semaphore, #tpu.memory_space<semaphore_mem>>)
    %scan3A_87 = arith.constant 0 : i32
    %scan3A_88 = arith.constant 0 : i32
    %scan3A_89 = arith.constant 79 : i32
    %scan3A_90 = arith.addi %scan3A_88, %scan3A_89 : i32
    %scan3A_91 = arith.constant 1 : i32
    scf.for %scan3A_109 = %scan3A_88 to %scan3A_90 step %scan3A_91  : i32 {
      %mul3A_110 = arith.constant 2 : i32
      %mul3A_111 = arith.muli %mul3A_110, %scan3A_109 : i32
      %dma_wait3A_112 = arith.constant 0 : i32
      %dma_wait3A_113 = tpu.memref_slice %arg8[%mul3A_111, %dma_wait3A_112] : memref<160x128xi32, #tpu.memory_space<vmem>> -> memref<1x128xi32, #tpu.memory_space<vmem>>
      %dma_wait3A_114 = tpu.memref_squeeze %dma_wait3A_113 : memref<1x128xi32, #tpu.memory_space<vmem>> -> memref<128xi32, #tpu.memory_space<vmem>>
      %dma_wait3A_115 = arith.constant 0 : i32
      %dma_wait3A_116 = arith.constant 0 : i32
      %dma_wait3A_117 = tpu.memref_slice %arg3[%dma_wait3A_115, %dma_wait3A_116] : memref<20000x64xf32, #tpu.memory_space<hbm>> -> memref<20000x64xf32, #tpu.memory_space<hbm>>
      tpu.wait_indirect_dma semaphore(%arg14 : memref<!tpu.dma_semaphore, #tpu.memory_space<semaphore_mem>>) src(%dma_wait3A_117 : memref<20000x64xf32, #tpu.memory_space<hbm>>) dst(%arg10 : memref<128x64xf32, #tpu.memory_space<vmem>>)
      %dma_start3A_118 = arith.constant 0 : i32
      %dma_start3A_119 = tpu.memref_slice %arg9[%mul3A_111, %dma_start3A_118] : memref<160x128xi32, #tpu.memory_space<vmem>> -> memref<1x128xi32, #tpu.memory_space<vmem>>
      %dma_start3A_120 = tpu.memref_squeeze %dma_start3A_119 : memref<1x128xi32, #tpu.memory_space<vmem>> -> memref<128xi32, #tpu.memory_space<vmem>>
      %dma_start3A_121 = arith.constant 0 : i32
      %dma_start3A_122 = arith.constant 0 : i32
      %dma_start3A_123 = tpu.memref_slice %arg13[%dma_start3A_121, %dma_start3A_122] : memref<10240x64xf32, #tpu.memory_space<vmem_shared>> -> memref<10240x64xf32, #tpu.memory_space<vmem_shared>>
      tpu.enqueue_indirect_dma source(%arg10 : memref<128x64xf32, #tpu.memory_space<vmem>>) target(%dma_start3A_123 : memref<10240x64xf32, #tpu.memory_space<vmem_shared>>) offsets(%dma_start3A_120 : memref<128xi32, #tpu.memory_space<vmem>>) semaphore(%arg16 : memref<!tpu.dma_semaphore, #tpu.memory_space<semaphore_mem>>) {add = true}
      %dma_wait3A_124 = arith.constant 0 : i32
      %dma_wait3A_125 = tpu.memref_slice %arg9[%mul3A_111, %dma_wait3A_124] : memref<160x128xi32, #tpu.memory_space<vmem>> -> memref<1x128xi32, #tpu.memory_space<vmem>>
      %dma_wait3A_126 = tpu.memref_squeeze %dma_wait3A_125 : memref<1x128xi32, #tpu.memory_space<vmem>> -> memref<128xi32, #tpu.memory_space<vmem>>
      %dma_wait3A_127 = arith.constant 0 : i32
      %dma_wait3A_128 = arith.constant 0 : i32
      %dma_wait3A_129 = tpu.memref_slice %arg13[%dma_wait3A_127, %dma_wait3A_128] : memref<10240x64xf32, #tpu.memory_space<vmem_shared>> -> memref<10240x64xf32, #tpu.memory_space<vmem_shared>>
      tpu.wait_indirect_dma semaphore(%arg16 : memref<!tpu.dma_semaphore, #tpu.memory_space<semaphore_mem>>) src(%arg10 : memref<128x64xf32, #tpu.memory_space<vmem>>) dst(%dma_wait3A_129 : memref<10240x64xf32, #tpu.memory_space<vmem_shared>>)
      %add3A_130 = arith.constant 2 : i32
      %add3A_131 = arith.addi %mul3A_111, %add3A_130 : i32
      %dma_start3A_132 = arith.constant 0 : i32
      %dma_start3A_133 = tpu.memref_slice %arg8[%add3A_131, %dma_start3A_132] : memref<160x128xi32, #tpu.memory_space<vmem>> -> memref<1x128xi32, #tpu.memory_space<vmem>>
      %dma_start3A_134 = tpu.memref_squeeze %dma_start3A_133 : memref<1x128xi32, #tpu.memory_space<vmem>> -> memref<128xi32, #tpu.memory_space<vmem>>
      %dma_start3A_135 = arith.constant 0 : i32
      %dma_start3A_136 = arith.constant 0 : i32
      %dma_start3A_137 = tpu.memref_slice %arg3[%dma_start3A_135, %dma_start3A_136] : memref<20000x64xf32, #tpu.memory_space<hbm>> -> memref<20000x64xf32, #tpu.memory_space<hbm>>
      tpu.enqueue_indirect_dma source(%dma_start3A_137 : memref<20000x64xf32, #tpu.memory_space<hbm>>) target(%arg10 : memref<128x64xf32, #tpu.memory_space<vmem>>) offsets(%dma_start3A_134 : memref<128xi32, #tpu.memory_space<vmem>>) semaphore(%arg14 : memref<!tpu.dma_semaphore, #tpu.memory_space<semaphore_mem>>)
      %add3A_138 = arith.constant 1 : i32
      %add3A_139 = arith.addi %mul3A_111, %add3A_138 : i32
      %dma_wait3A_140 = arith.constant 0 : i32
      %dma_wait3A_141 = tpu.memref_slice %arg8[%add3A_139, %dma_wait3A_140] : memref<160x128xi32, #tpu.memory_space<vmem>> -> memref<1x128xi32, #tpu.memory_space<vmem>>
      %dma_wait3A_142 = tpu.memref_squeeze %dma_wait3A_141 : memref<1x128xi32, #tpu.memory_space<vmem>> -> memref<128xi32, #tpu.memory_space<vmem>>
      %dma_wait3A_143 = arith.constant 0 : i32
      %dma_wait3A_144 = arith.constant 0 : i32
      %dma_wait3A_145 = tpu.memref_slice %arg3[%dma_wait3A_143, %dma_wait3A_144] : memref<20000x64xf32, #tpu.memory_space<hbm>> -> memref<20000x64xf32, #tpu.memory_space<hbm>>
      tpu.wait_indirect_dma semaphore(%arg15 : memref<!tpu.dma_semaphore, #tpu.memory_space<semaphore_mem>>) src(%dma_wait3A_145 : memref<20000x64xf32, #tpu.memory_space<hbm>>) dst(%arg11 : memref<128x64xf32, #tpu.memory_space<vmem>>)
      %add3A_146 = arith.constant 1 : i32
      %add3A_147 = arith.addi %mul3A_111, %add3A_146 : i32
      %dma_start3A_148 = arith.constant 0 : i32
      %dma_start3A_149 = tpu.memref_slice %arg9[%add3A_147, %dma_start3A_148] : memref<160x128xi32, #tpu.memory_space<vmem>> -> memref<1x128xi32, #tpu.memory_space<vmem>>
      %dma_start3A_150 = tpu.memref_squeeze %dma_start3A_149 : memref<1x128xi32, #tpu.memory_space<vmem>> -> memref<128xi32, #tpu.memory_space<vmem>>
      %dma_start3A_151 = arith.constant 0 : i32
      %dma_start3A_152 = arith.constant 0 : i32
      %dma_start3A_153 = tpu.memref_slice %arg13[%dma_start3A_151, %dma_start3A_152] : memref<10240x64xf32, #tpu.memory_space<vmem_shared>> -> memref<10240x64xf32, #tpu.memory_space<vmem_shared>>
      tpu.enqueue_indirect_dma source(%arg11 : memref<128x64xf32, #tpu.memory_space<vmem>>) target(%dma_start3A_153 : memref<10240x64xf32, #tpu.memory_space<vmem_shared>>) offsets(%dma_start3A_150 : memref<128xi32, #tpu.memory_space<vmem>>) semaphore(%arg17 : memref<!tpu.dma_semaphore, #tpu.memory_space<semaphore_mem>>) {add = true}
      %dma_wait3A_154 = arith.constant 0 : i32
      %dma_wait3A_155 = tpu.memref_slice %arg9[%add3A_147, %dma_wait3A_154] : memref<160x128xi32, #tpu.memory_space<vmem>> -> memref<1x128xi32, #tpu.memory_space<vmem>>
      %dma_wait3A_156 = tpu.memref_squeeze %dma_wait3A_155 : memref<1x128xi32, #tpu.memory_space<vmem>> -> memref<128xi32, #tpu.memory_space<vmem>>
      %dma_wait3A_157 = arith.constant 0 : i32
      %dma_wait3A_158 = arith.constant 0 : i32
      %dma_wait3A_159 = tpu.memref_slice %arg13[%dma_wait3A_157, %dma_wait3A_158] : memref<10240x64xf32, #tpu.memory_space<vmem_shared>> -> memref<10240x64xf32, #tpu.memory_space<vmem_shared>>
      tpu.wait_indirect_dma semaphore(%arg17 : memref<!tpu.dma_semaphore, #tpu.memory_space<semaphore_mem>>) src(%arg11 : memref<128x64xf32, #tpu.memory_space<vmem>>) dst(%dma_wait3A_159 : memref<10240x64xf32, #tpu.memory_space<vmem_shared>>)
      %add3A_160 = arith.constant 3 : i32
      %add3A_161 = arith.addi %mul3A_111, %add3A_160 : i32
      %dma_start3A_162 = arith.constant 0 : i32
      %dma_start3A_163 = tpu.memref_slice %arg8[%add3A_161, %dma_start3A_162] : memref<160x128xi32, #tpu.memory_space<vmem>> -> memref<1x128xi32, #tpu.memory_space<vmem>>
      %dma_start3A_164 = tpu.memref_squeeze %dma_start3A_163 : memref<1x128xi32, #tpu.memory_space<vmem>> -> memref<128xi32, #tpu.memory_space<vmem>>
      %dma_start3A_165 = arith.constant 0 : i32
      %dma_start3A_166 = arith.constant 0 : i32
      %dma_start3A_167 = tpu.memref_slice %arg3[%dma_start3A_165, %dma_start3A_166] : memref<20000x64xf32, #tpu.memory_space<hbm>> -> memref<20000x64xf32, #tpu.memory_space<hbm>>
      tpu.enqueue_indirect_dma source(%dma_start3A_167 : memref<20000x64xf32, #tpu.memory_space<hbm>>) target(%arg11 : memref<128x64xf32, #tpu.memory_space<vmem>>) offsets(%dma_start3A_164 : memref<128xi32, #tpu.memory_space<vmem>>) semaphore(%arg15 : memref<!tpu.dma_semaphore, #tpu.memory_space<semaphore_mem>>)
    }
    %scan3A_92 = arith.constant 79 : i32
    %dma_wait3A_93 = arith.constant 158 : i32
    %dma_wait3A_94 = arith.constant 0 : i32
    %dma_wait3A_95 = tpu.memref_slice %arg8[%dma_wait3A_93, %dma_wait3A_94] : memref<160x128xi32, #tpu.memory_space<vmem>> -> memref<1x128xi32, #tpu.memory_space<vmem>>
    %dma_wait3A_96 = tpu.memref_squeeze %dma_wait3A_95 : memref<1x128xi32, #tpu.memory_space<vmem>> -> memref<128xi32, #tpu.memory_space<vmem>>
    %dma_wait3A_97 = arith.constant 0 : i32
    %dma_wait3A_98 = arith.constant 0 : i32
    %dma_wait3A_99 = tpu.memref_slice %arg3[%dma_wait3A_97, %dma_wait3A_98] : memref<20000x64xf32, #tpu.memory_space<hbm>> -> memref<20000x64xf32, #tpu.memory_space<hbm>>
    tpu.wait_indirect_dma semaphore(%arg14 : memref<!tpu.dma_semaphore, #tpu.memory_space<semaphore_mem>>) src(%dma_wait3A_99 : memref<20000x64xf32, #tpu.memory_space<hbm>>) dst(%arg10 : memref<128x64xf32, #tpu.memory_space<vmem>>)
    %dma_wait3A_100 = arith.constant 159 : i32
    %dma_wait3A_101 = arith.constant 0 : i32
    %dma_wait3A_102 = tpu.memref_slice %arg8[%dma_wait3A_100, %dma_wait3A_101] : memref<160x128xi32, #tpu.memory_space<vmem>> -> memref<1x128xi32, #tpu.memory_space<vmem>>
    %dma_wait3A_103 = tpu.memref_squeeze %dma_wait3A_102 : memref<1x128xi32, #tpu.memory_space<vmem>> -> memref<128xi32, #tpu.memory_space<vmem>>
    %dma_wait3A_104 = arith.constant 0 : i32
    %dma_wait3A_105 = arith.constant 0 : i32
    %dma_wait3A_106 = tpu.memref_slice %arg3[%dma_wait3A_104, %dma_wait3A_105] : memref<20000x64xf32, #tpu.memory_space<hbm>> -> memref<20000x64xf32, #tpu.memory_space<hbm>>
    tpu.wait_indirect_dma semaphore(%arg15 : memref<!tpu.dma_semaphore, #tpu.memory_space<semaphore_mem>>) src(%dma_wait3A_106 : memref<20000x64xf32, #tpu.memory_space<hbm>>) dst(%arg11 : memref<128x64xf32, #tpu.memory_space<vmem>>)
    %barrier3A_107 = arith.constant 0 : index
    tpu.barrier barrier_id(%barrier3A_107)
    %run_scoped3A_108 = arith.constant 1 : i32
    "tpu.region"() ({
      %run_scoped3A_109 = tpu.sem_alloc : memref<!tpu.dma_semaphore, #tpu.memory_space<semaphore_mem>>
      %dma_start3A_110 = arith.constant 0 : i32
      %dma_start3A_111 = tpu.memref_slice %arg7[%run_scoped3A_108, %arg0, %mul3A_0, %dma_start3A_110] : memref<2x2x10240x64xf32, #tpu.memory_space<hbm>> -> memref<1x1x640x64xf32, #tpu.memory_space<hbm>>
      %dma_start3A_112 = tpu.memref_squeeze %dma_start3A_111 : memref<1x1x640x64xf32, #tpu.memory_space<hbm>> -> memref<640x64xf32, #tpu.memory_space<hbm>>
      %dma_start3A_113 = arith.constant 0 : i32
      %dma_start3A_114 = tpu.memref_slice %arg13[%mul3A_0, %dma_start3A_113] : memref<10240x64xf32, #tpu.memory_space<vmem_shared>> -> memref<640x64xf32, #tpu.memory_space<vmem_shared>>
      tpu.enqueue_dma source(%dma_start3A_114 : memref<640x64xf32, #tpu.memory_space<vmem_shared>>) target(%dma_start3A_112 : memref<640x64xf32, #tpu.memory_space<hbm>>) target_semaphore(%run_scoped3A_109 : memref<!tpu.dma_semaphore, #tpu.memory_space<semaphore_mem>>)
      %dma_wait3A_115 = arith.constant 0 : i32
      %dma_wait3A_116 = tpu.memref_slice %arg7[%run_scoped3A_108, %arg0, %mul3A_0, %dma_wait3A_115] : memref<2x2x10240x64xf32, #tpu.memory_space<hbm>> -> memref<1x1x640x64xf32, #tpu.memory_space<hbm>>
      %dma_wait3A_117 = tpu.memref_squeeze %dma_wait3A_116 : memref<1x1x640x64xf32, #tpu.memory_space<hbm>> -> memref<640x64xf32, #tpu.memory_space<hbm>>
      %dma_wait3A_118 = arith.constant 0 : i32
      %dma_wait3A_119 = tpu.memref_slice %arg13[%mul3A_0, %dma_wait3A_118] : memref<10240x64xf32, #tpu.memory_space<vmem_shared>> -> memref<640x64xf32, #tpu.memory_space<vmem_shared>>
      tpu.wait_dma2 semaphore(%run_scoped3A_109 : memref<!tpu.dma_semaphore, #tpu.memory_space<semaphore_mem>>) src(%dma_wait3A_119 : memref<640x64xf32, #tpu.memory_space<vmem_shared>>) dst(%dma_wait3A_117 : memref<640x64xf32, #tpu.memory_space<hbm>>)
      tpu.yield
    }) : () -> ()
    return
  }
}

module attributes {stable_mosaic.version = 14 : i64} {
  func.func @_init_body(%arg0: i32, %arg1: memref<2000x128xf32, #tpu.memory_space<vmem>>, %arg2: memref<128x128xf32, #tpu.memory_space<vmem>>, %arg3: memref<1x128xf32, #tpu.memory_space<vmem>>, %arg4: memref<2000x128xf32, #tpu.memory_space<vmem>>) attributes {dimension_semantics = [#tpu.dimension_semantics<arbitrary>], iteration_bounds = array<i64: 5>, scalar_prefetch = 0 : i64, scratch_operands = 0 : i64, tpu.core_type = #tpu.core_type<tc>, window_params = [{transform_indices = @transform_0, window_bounds = array<i64: 2000, 128>}, {pipeline_mode = #tpu.pipeline_mode<synchronous>, transform_indices = @transform_1, window_bounds = array<i64: 128, 128>}, {pipeline_mode = #tpu.pipeline_mode<synchronous>, transform_indices = @transform_2, window_bounds = array<i64: 1, 128>}, {transform_indices = @transform_3, window_bounds = array<i64: 2000, 128>}]} {
    %get3A = arith.constant 0 : index
    %get3A_0 = arith.constant 0 : index
    %get3A_1 = vector.load %arg1[%get3A, %get3A_0] : memref<2000x128xf32, #tpu.memory_space<vmem>>, vector<2000x128xf32>
    %mul3A = arith.mulf %get3A_1, %get3A_1 : vector<2000x128xf32>
    %reduce_sum3A = arith.constant dense<0.000000e+00> : vector<2000xf32>
    %reduce_sum3A_2 = vector.multi_reduction <add>, %mul3A, %reduce_sum3A [1] : vector<2000x128xf32> to vector<2000xf32>
    %broadcast_in_dim3A = vector.shape_cast %reduce_sum3A_2 : vector<2000xf32> to vector<2000x1xf32>
    %sqrt3A = math.sqrt %broadcast_in_dim3A : vector<2000x1xf32>
    %max3A = arith.constant 9.99999996E-13 : f32
    %max3A_3 = vector.broadcast %max3A : f32 to vector<2000x1xf32>
    %max3A_4 = arith.maximumf %sqrt3A, %max3A_3 : vector<2000x1xf32>
    %div3A = vector.broadcast %max3A_4 : vector<2000x1xf32> to vector<2000x128xf32>
    %div3A_5 = arith.divf %get3A_1, %div3A : vector<2000x128xf32>
    %get3A_6 = arith.constant 0 : index
    %get3A_7 = arith.constant 0 : index
    %get3A_8 = vector.load %arg2[%get3A_6, %get3A_7] : memref<128x128xf32, #tpu.memory_space<vmem>>, vector<128x128xf32>
    %dot_general3A = arith.constant dense<0.000000e+00> : vector<2000x128xf32>
    %dot_general3A_9 = tpu.matmul %div3A_5, %get3A_8, %dot_general3A {dimension_numbers = #tpu.dot_dimension_numbers<[1], [0], [0], [1], [0, 0, 1, 1], [], []>, transpose_lhs_hint = false} : vector<2000x128xf32>, vector<128x128xf32>, vector<2000x128xf32> -> vector<2000x128xf32>
    %get3A_10 = arith.constant 0 : index
    %get3A_11 = arith.constant 0 : index
    %get3A_12 = vector.load %arg3[%get3A_10, %get3A_11] : memref<1x128xf32, #tpu.memory_space<vmem>>, vector<1x128xf32>
    %add3A = vector.broadcast %get3A_12 : vector<1x128xf32> to vector<2000x128xf32>
    %add3A_13 = arith.addf %dot_general3A_9, %add3A : vector<2000x128xf32>
    %swap3A = arith.constant 0 : index
    %swap3A_14 = arith.constant 0 : index
    %swap3A_15 = vector.load %arg4[%swap3A, %swap3A_14] : memref<2000x128xf32, #tpu.memory_space<vmem>>, vector<2000x128xf32>
    tpu.vector_store %arg4[%swap3A, %swap3A_14], %add3A_13 {strides = array<i32>} : memref<2000x128xf32, #tpu.memory_space<vmem>>, vector<2000x128xf32>,
    return
  }
  func.func @transform_0(%arg0: i32) -> (i32, i32) {
    %c0_i32 = arith.constant 0 : i32
    %c0_i32_0 = arith.constant 0 : i32
    return %arg0, %c0_i32 : i32, i32
  }
  func.func @transform_1(%arg0: i32) -> (i32, i32) {
    %c0_i32 = arith.constant 0 : i32
    %c0_i32_0 = arith.constant 0 : i32
    %c0_i32_1 = arith.constant 0 : i32
    return %c0_i32, %c0_i32_0 : i32, i32
  }
  func.func @transform_2(%arg0: i32) -> (i32, i32) {
    %c0_i32 = arith.constant 0 : i32
    %c0_i32_0 = arith.constant 0 : i32
    %c0_i32_1 = arith.constant 0 : i32
    return %c0_i32, %c0_i32_0 : i32, i32
  }
  func.func @transform_3(%arg0: i32) -> (i32, i32) {
    %c0_i32 = arith.constant 0 : i32
    %c0_i32_0 = arith.constant 0 : i32
    return %arg0, %c0_i32 : i32, i32
  }
}

module attributes {stable_mosaic.version = 14 : i64} {
  func.func @_post_body(%arg0: i32, %arg1: memref<2000x128xf32, #tpu.memory_space<vmem>>, %arg2: memref<2000x1xf32, #tpu.memory_space<vmem>>, %arg3: memref<2000x128xf32, #tpu.memory_space<vmem>>, %arg4: memref<128x128xf32, #tpu.memory_space<vmem>>, %arg5: memref<1x128xf32, #tpu.memory_space<vmem>>, %arg6: memref<128x128xf32, #tpu.memory_space<vmem>>, %arg7: memref<1x128xf32, #tpu.memory_space<vmem>>, %arg8: memref<1x128xf32, #tpu.memory_space<vmem>>, %arg9: memref<2000x128xf32, #tpu.memory_space<vmem>>) attributes {dimension_semantics = [#tpu.dimension_semantics<arbitrary>], iteration_bounds = array<i64: 5>, scalar_prefetch = 0 : i64, scratch_operands = 0 : i64, tpu.core_type = #tpu.core_type<tc>, window_params = [{transform_indices = @transform_0, window_bounds = array<i64: 2000, 128>}, {transform_indices = @transform_1, window_bounds = array<i64: 2000, 1>}, {transform_indices = @transform_2, window_bounds = array<i64: 2000, 128>}, {pipeline_mode = #tpu.pipeline_mode<synchronous>, transform_indices = @transform_3, window_bounds = array<i64: 128, 128>}, {pipeline_mode = #tpu.pipeline_mode<synchronous>, transform_indices = @transform_4, window_bounds = array<i64: 1, 128>}, {pipeline_mode = #tpu.pipeline_mode<synchronous>, transform_indices = @transform_5, window_bounds = array<i64: 128, 128>}, {pipeline_mode = #tpu.pipeline_mode<synchronous>, transform_indices = @transform_6, window_bounds = array<i64: 1, 128>}, {pipeline_mode = #tpu.pipeline_mode<synchronous>, transform_indices = @transform_7, window_bounds = array<i64: 1, 128>}, {transform_indices = @transform_8, window_bounds = array<i64: 2000, 128>}]} {
    %get3A = arith.constant 0 : index
    %get3A_0 = arith.constant 0 : index
    %get3A_1 = vector.load %arg1[%get3A, %get3A_0] : memref<2000x128xf32, #tpu.memory_space<vmem>>, vector<2000x128xf32>
    %get3A_2 = arith.constant 0 : index
    %get3A_3 = arith.constant 0 : index
    %get3A_4 = vector.load %arg2[%get3A_2, %get3A_3] : memref<2000x1xf32, #tpu.memory_space<vmem>>, vector<2000x1xf32>
    %max3A = arith.constant 1.000000e+00 : f32
    %max3A_5 = vector.broadcast %max3A : f32 to vector<2000x1xf32>
    %max3A_6 = arith.maximumf %get3A_4, %max3A_5 : vector<2000x1xf32>
    %div3A = vector.broadcast %max3A_6 : vector<2000x1xf32> to vector<2000x128xf32>
    %div3A_7 = arith.divf %get3A_1, %div3A : vector<2000x128xf32>
    %get3A_8 = arith.constant 0 : index
    %get3A_9 = arith.constant 0 : index
    %get3A_10 = vector.load %arg4[%get3A_8, %get3A_9] : memref<128x128xf32, #tpu.memory_space<vmem>>, vector<128x128xf32>
    %dot_general3A = arith.constant dense<0.000000e+00> : vector<2000x128xf32>
    %dot_general3A_11 = tpu.matmul %div3A_7, %get3A_10, %dot_general3A {dimension_numbers = #tpu.dot_dimension_numbers<[1], [0], [0], [1], [0, 0, 1, 1], [], []>, transpose_lhs_hint = false} : vector<2000x128xf32>, vector<128x128xf32>, vector<2000x128xf32> -> vector<2000x128xf32>
    %get3A_12 = arith.constant 0 : index
    %get3A_13 = arith.constant 0 : index
    %get3A_14 = vector.load %arg5[%get3A_12, %get3A_13] : memref<1x128xf32, #tpu.memory_space<vmem>>, vector<1x128xf32>
    %add3A = vector.broadcast %get3A_14 : vector<1x128xf32> to vector<2000x128xf32>
    %add3A_15 = arith.addf %dot_general3A_11, %add3A : vector<2000x128xf32>
    %get3A_16 = arith.constant 0 : index
    %get3A_17 = arith.constant 0 : index
    %get3A_18 = vector.load %arg3[%get3A_16, %get3A_17] : memref<2000x128xf32, #tpu.memory_space<vmem>>, vector<2000x128xf32>
    %get3A_19 = arith.constant 0 : index
    %get3A_20 = arith.constant 0 : index
    %get3A_21 = vector.load %arg6[%get3A_19, %get3A_20] : memref<128x128xf32, #tpu.memory_space<vmem>>, vector<128x128xf32>
    %dot_general3A_22 = arith.constant dense<0.000000e+00> : vector<2000x128xf32>
    %dot_general3A_23 = tpu.matmul %get3A_18, %get3A_21, %dot_general3A_22 {dimension_numbers = #tpu.dot_dimension_numbers<[1], [0], [0], [1], [0, 0, 1, 1], [], []>, transpose_lhs_hint = false} : vector<2000x128xf32>, vector<128x128xf32>, vector<2000x128xf32> -> vector<2000x128xf32>
    %add3A_24 = arith.addf %add3A_15, %dot_general3A_23 : vector<2000x128xf32>
    %reduce_sum3A = arith.constant dense<0.000000e+00> : vector<2000xf32>
    %reduce_sum3A_25 = vector.multi_reduction <add>, %add3A_24, %reduce_sum3A [1] : vector<2000x128xf32> to vector<2000xf32>
    %broadcast_in_dim3A = vector.shape_cast %reduce_sum3A_25 : vector<2000xf32> to vector<2000x1xf32>
    %div3A_26 = arith.constant 1.280000e+02 : f32
    %div3A_27 = vector.broadcast %div3A_26 : f32 to vector<2000x1xf32>
    %div3A_28 = arith.divf %broadcast_in_dim3A, %div3A_27 : vector<2000x1xf32>
    %sub3A = vector.broadcast %div3A_28 : vector<2000x1xf32> to vector<2000x128xf32>
    %sub3A_29 = arith.subf %add3A_24, %sub3A : vector<2000x128xf32>
    %integer_pow3A = arith.mulf %sub3A_29, %sub3A_29 : vector<2000x128xf32>
    %reduce_sum3A_30 = arith.constant dense<0.000000e+00> : vector<2000xf32>
    %reduce_sum3A_31 = vector.multi_reduction <add>, %integer_pow3A, %reduce_sum3A_30 [1] : vector<2000x128xf32> to vector<2000xf32>
    %broadcast_in_dim3A_32 = vector.shape_cast %reduce_sum3A_31 : vector<2000xf32> to vector<2000x1xf32>
    %div3A_33 = arith.constant 1.280000e+02 : f32
    %div3A_34 = vector.broadcast %div3A_33 : f32 to vector<2000x1xf32>
    %div3A_35 = arith.divf %broadcast_in_dim3A_32, %div3A_34 : vector<2000x1xf32>
    %sub3A_36 = vector.broadcast %div3A_28 : vector<2000x1xf32> to vector<2000x128xf32>
    %sub3A_37 = arith.subf %add3A_24, %sub3A_36 : vector<2000x128xf32>
    %add3A_38 = arith.constant 9.99999974E-6 : f32
    %add3A_39 = vector.broadcast %add3A_38 : f32 to vector<2000x1xf32>
    %add3A_40 = arith.addf %div3A_35, %add3A_39 : vector<2000x1xf32>
    %sqrt3A = math.sqrt %add3A_40 : vector<2000x1xf32>
    %div3A_41 = vector.broadcast %sqrt3A : vector<2000x1xf32> to vector<2000x128xf32>
    %div3A_42 = arith.divf %sub3A_37, %div3A_41 : vector<2000x128xf32>
    %get3A_43 = arith.constant 0 : index
    %get3A_44 = arith.constant 0 : index
    %get3A_45 = vector.load %arg7[%get3A_43, %get3A_44] : memref<1x128xf32, #tpu.memory_space<vmem>>, vector<1x128xf32>
    %mul3A = vector.broadcast %get3A_45 : vector<1x128xf32> to vector<2000x128xf32>
    %mul3A_46 = arith.mulf %div3A_42, %mul3A : vector<2000x128xf32>
    %get3A_47 = arith.constant 0 : index
    %get3A_48 = arith.constant 0 : index
    %get3A_49 = vector.load %arg8[%get3A_47, %get3A_48] : memref<1x128xf32, #tpu.memory_space<vmem>>, vector<1x128xf32>
    %add3A_50 = vector.broadcast %get3A_49 : vector<1x128xf32> to vector<2000x128xf32>
    %add3A_51 = arith.addf %mul3A_46, %add3A_50 : vector<2000x128xf32>
    %max3A_52 = arith.constant 0.000000e+00 : f32
    %max3A_53 = vector.broadcast %max3A_52 : f32 to vector<2000x128xf32>
    %max3A_54 = arith.maximumf %add3A_51, %max3A_53 : vector<2000x128xf32>
    %swap3A = arith.constant 0 : index
    %swap3A_55 = arith.constant 0 : index
    %swap3A_56 = vector.load %arg9[%swap3A, %swap3A_55] : memref<2000x128xf32, #tpu.memory_space<vmem>>, vector<2000x128xf32>
    tpu.vector_store %arg9[%swap3A, %swap3A_55], %max3A_54 {strides = array<i32>} : memref<2000x128xf32, #tpu.memory_space<vmem>>, vector<2000x128xf32>,
    return
  }
  func.func @transform_0(%arg0: i32) -> (i32, i32) {
    %c0_i32 = arith.constant 0 : i32
    %c0_i32_0 = arith.constant 0 : i32
    return %arg0, %c0_i32 : i32, i32
  }
  func.func @transform_1(%arg0: i32) -> (i32, i32) {
    %c0_i32 = arith.constant 0 : i32
    %c0_i32_0 = arith.constant 0 : i32
    return %arg0, %c0_i32 : i32, i32
  }
  func.func @transform_2(%arg0: i32) -> (i32, i32) {
    %c0_i32 = arith.constant 0 : i32
    %c0_i32_0 = arith.constant 0 : i32
    return %arg0, %c0_i32 : i32, i32
  }
  func.func @transform_3(%arg0: i32) -> (i32, i32) {
    %c0_i32 = arith.constant 0 : i32
    %c0_i32_0 = arith.constant 0 : i32
    %c0_i32_1 = arith.constant 0 : i32
    return %c0_i32, %c0_i32_0 : i32, i32
  }
  func.func @transform_4(%arg0: i32) -> (i32, i32) {
    %c0_i32 = arith.constant 0 : i32
    %c0_i32_0 = arith.constant 0 : i32
    %c0_i32_1 = arith.constant 0 : i32
    return %c0_i32, %c0_i32_0 : i32, i32
  }
  func.func @transform_5(%arg0: i32) -> (i32, i32) {
    %c0_i32 = arith.constant 0 : i32
    %c0_i32_0 = arith.constant 0 : i32
    %c0_i32_1 = arith.constant 0 : i32
    return %c0_i32, %c0_i32_0 : i32, i32
  }
  func.func @transform_6(%arg0: i32) -> (i32, i32) {
    %c0_i32 = arith.constant 0 : i32
    %c0_i32_0 = arith.constant 0 : i32
    %c0_i32_1 = arith.constant 0 : i32
    return %c0_i32, %c0_i32_0 : i32, i32
  }
  func.func @transform_7(%arg0: i32) -> (i32, i32) {
    %c0_i32 = arith.constant 0 : i32
    %c0_i32_0 = arith.constant 0 : i32
    %c0_i32_1 = arith.constant 0 : i32
    return %c0_i32, %c0_i32_0 : i32, i32
  }
  func.func @transform_8(%arg0: i32) -> (i32, i32) {
    %c0_i32 = arith.constant 0 : i32
    %c0_i32_0 = arith.constant 0 : i32
    return %arg0, %c0_i32 : i32, i32
  }
}

module attributes {stable_mosaic.version = 14 : i64} {
  func.func @_heads_body(%arg0: i32, %arg1: memref<2000x128xf32, #tpu.memory_space<vmem>>, %arg2: memref<128x128xf32, #tpu.memory_space<vmem>>, %arg3: memref<1x128xf32, #tpu.memory_space<vmem>>, %arg4: memref<128x1xf32, #tpu.memory_space<vmem>>, %arg5: memref<1x1xf32, #tpu.memory_space<vmem>>, %arg6: memref<128x128xf32, #tpu.memory_space<vmem>>, %arg7: memref<1x128xf32, #tpu.memory_space<vmem>>, %arg8: memref<128x50xf32, #tpu.memory_space<vmem>>, %arg9: memref<1x50xf32, #tpu.memory_space<vmem>>, %arg10: memref<128x128xf32, #tpu.memory_space<vmem>>, %arg11: memref<1x128xf32, #tpu.memory_space<vmem>>, %arg12: memref<128x1000xf32, #tpu.memory_space<vmem>>, %arg13: memref<1x1000xf32, #tpu.memory_space<vmem>>, %arg14: memref<2000x1xf32, #tpu.memory_space<vmem>>, %arg15: memref<2000x50xf32, #tpu.memory_space<vmem>>, %arg16: memref<2000x1000xf32, #tpu.memory_space<vmem>>, %arg17: memref<2000x128xf32, #tpu.memory_space<vmem>>) attributes {dimension_semantics = [#tpu.dimension_semantics<arbitrary>], iteration_bounds = array<i64: 5>, scalar_prefetch = 0 : i64, scratch_operands = 0 : i64, tpu.core_type = #tpu.core_type<tc>, window_params = [{transform_indices = @transform_0, window_bounds = array<i64: 2000, 128>}, {pipeline_mode = #tpu.pipeline_mode<synchronous>, transform_indices = @transform_1, window_bounds = array<i64: 128, 128>}, {pipeline_mode = #tpu.pipeline_mode<synchronous>, transform_indices = @transform_2, window_bounds = array<i64: 1, 128>}, {pipeline_mode = #tpu.pipeline_mode<synchronous>, transform_indices = @transform_3, window_bounds = array<i64: 128, 1>}, {pipeline_mode = #tpu.pipeline_mode<synchronous>, transform_indices = @transform_4, window_bounds = array<i64: 1, 1>}, {pipeline_mode = #tpu.pipeline_mode<synchronous>, transform_indices = @transform_5, window_bounds = array<i64: 128, 128>}, {pipeline_mode = #tpu.pipeline_mode<synchronous>, transform_indices = @transform_6, window_bounds = array<i64: 1, 128>}, {pipeline_mode = #tpu.pipeline_mode<synchronous>, transform_indices = @transform_7, window_bounds = array<i64: 128, 50>}, {pipeline_mode = #tpu.pipeline_mode<synchronous>, transform_indices = @transform_8, window_bounds = array<i64: 1, 50>}, {pipeline_mode = #tpu.pipeline_mode<synchronous>, transform_indices = @transform_9, window_bounds = array<i64: 128, 128>}, {pipeline_mode = #tpu.pipeline_mode<synchronous>, transform_indices = @transform_10, window_bounds = array<i64: 1, 128>}, {pipeline_mode = #tpu.pipeline_mode<synchronous>, transform_indices = @transform_11, window_bounds = array<i64: 128, 1000>}, {pipeline_mode = #tpu.pipeline_mode<synchronous>, transform_indices = @transform_12, window_bounds = array<i64: 1, 1000>}, {transform_indices = @transform_13, window_bounds = array<i64: 2000, 1>}, {transform_indices = @transform_14, window_bounds = array<i64: 2000, 50>}, {transform_indices = @transform_15, window_bounds = array<i64: 2000, 1000>}, {transform_indices = @transform_16, window_bounds = array<i64: 2000, 128>}]} {
    %get3A = arith.constant 0 : index
    %get3A_0 = arith.constant 0 : index
    %get3A_1 = vector.load %arg1[%get3A, %get3A_0] : memref<2000x128xf32, #tpu.memory_space<vmem>>, vector<2000x128xf32>
    %mul3A = arith.mulf %get3A_1, %get3A_1 : vector<2000x128xf32>
    %reduce_sum3A = arith.constant dense<0.000000e+00> : vector<2000xf32>
    %reduce_sum3A_2 = vector.multi_reduction <add>, %mul3A, %reduce_sum3A [1] : vector<2000x128xf32> to vector<2000xf32>
    %broadcast_in_dim3A = vector.shape_cast %reduce_sum3A_2 : vector<2000xf32> to vector<2000x1xf32>
    %sqrt3A = math.sqrt %broadcast_in_dim3A : vector<2000x1xf32>
    %max3A = arith.constant 9.99999996E-13 : f32
    %max3A_3 = vector.broadcast %max3A : f32 to vector<2000x1xf32>
    %max3A_4 = arith.maximumf %sqrt3A, %max3A_3 : vector<2000x1xf32>
    %div3A = vector.broadcast %max3A_4 : vector<2000x1xf32> to vector<2000x128xf32>
    %div3A_5 = arith.divf %get3A_1, %div3A : vector<2000x128xf32>
    %swap3A = arith.constant 0 : index
    %swap3A_6 = arith.constant 0 : index
    %swap3A_7 = vector.load %arg17[%swap3A, %swap3A_6] : memref<2000x128xf32, #tpu.memory_space<vmem>>, vector<2000x128xf32>
    tpu.vector_store %arg17[%swap3A, %swap3A_6], %div3A_5 {strides = array<i32>} : memref<2000x128xf32, #tpu.memory_space<vmem>>, vector<2000x128xf32>,
    %get3A_8 = arith.constant 0 : index
    %get3A_9 = arith.constant 0 : index
    %get3A_10 = vector.load %arg2[%get3A_8, %get3A_9] : memref<128x128xf32, #tpu.memory_space<vmem>>, vector<128x128xf32>
    %get3A_11 = arith.constant 0 : index
    %get3A_12 = arith.constant 0 : index
    %get3A_13 = vector.load %arg3[%get3A_11, %get3A_12] : memref<1x128xf32, #tpu.memory_space<vmem>>, vector<1x128xf32>
    %get3A_14 = arith.constant 0 : index
    %get3A_15 = arith.constant 0 : index
    %get3A_16 = vector.load %arg4[%get3A_14, %get3A_15] : memref<128x1xf32, #tpu.memory_space<vmem>>, vector<128x1xf32>
    %get3A_17 = arith.constant 0 : index
    %get3A_18 = arith.constant 0 : index
    %get3A_19 = vector.load %arg5[%get3A_17, %get3A_18] : memref<1x1xf32, #tpu.memory_space<vmem>>, vector<1x1xf32>
    %dot_general3A = arith.constant dense<0.000000e+00> : vector<2000x128xf32>
    %dot_general3A_20 = tpu.matmul %div3A_5, %get3A_10, %dot_general3A {dimension_numbers = #tpu.dot_dimension_numbers<[1], [0], [0], [1], [0, 0, 1, 1], [], []>, transpose_lhs_hint = false} : vector<2000x128xf32>, vector<128x128xf32>, vector<2000x128xf32> -> vector<2000x128xf32>
    %add3A = vector.broadcast %get3A_13 : vector<1x128xf32> to vector<2000x128xf32>
    %add3A_21 = arith.addf %dot_general3A_20, %add3A : vector<2000x128xf32>
    %max3A_22 = arith.constant 0.000000e+00 : f32
    %max3A_23 = vector.broadcast %max3A_22 : f32 to vector<2000x128xf32>
    %max3A_24 = arith.maximumf %add3A_21, %max3A_23 : vector<2000x128xf32>
    %dot_general3A_25 = arith.constant dense<0.000000e+00> : vector<2000x1xf32>
    %dot_general3A_26 = tpu.matmul %max3A_24, %get3A_16, %dot_general3A_25 {dimension_numbers = #tpu.dot_dimension_numbers<[1], [0], [0], [1], [0, 0, 1, 1], [], []>, transpose_lhs_hint = false} : vector<2000x128xf32>, vector<128x1xf32>, vector<2000x1xf32> -> vector<2000x1xf32>
    %add3A_27 = vector.broadcast %get3A_19 : vector<1x1xf32> to vector<2000x1xf32>
    %add3A_28 = arith.addf %dot_general3A_26, %add3A_27 : vector<2000x1xf32>
    %logistic3A = arith.negf %add3A_28 : vector<2000x1xf32>
    %logistic3A_29 = math.exp %logistic3A : vector<2000x1xf32>
    %logistic3A_30 = arith.constant 1.000000e+00 : f32
    %logistic3A_31 = vector.broadcast %logistic3A_30 : f32 to vector<2000x1xf32>
    %logistic3A_32 = arith.addf %logistic3A_31, %logistic3A_29 : vector<2000x1xf32>
    %logistic3A_33 = arith.divf %logistic3A_31, %logistic3A_32 : vector<2000x1xf32>
    %swap3A_34 = arith.constant 0 : index
    %swap3A_35 = arith.constant 0 : index
    %swap3A_36 = vector.load %arg14[%swap3A_34, %swap3A_35] : memref<2000x1xf32, #tpu.memory_space<vmem>>, vector<2000x1xf32>
    tpu.vector_store %arg14[%swap3A_34, %swap3A_35], %logistic3A_33 {strides = array<i32>} : memref<2000x1xf32, #tpu.memory_space<vmem>>, vector<2000x1xf32>,
    %get3A_37 = arith.constant 0 : index
    %get3A_38 = arith.constant 0 : index
    %get3A_39 = vector.load %arg6[%get3A_37, %get3A_38] : memref<128x128xf32, #tpu.memory_space<vmem>>, vector<128x128xf32>
    %get3A_40 = arith.constant 0 : index
    %get3A_41 = arith.constant 0 : index
    %get3A_42 = vector.load %arg7[%get3A_40, %get3A_41] : memref<1x128xf32, #tpu.memory_space<vmem>>, vector<1x128xf32>
    %get3A_43 = arith.constant 0 : index
    %get3A_44 = arith.constant 0 : index
    %get3A_45 = vector.load %arg8[%get3A_43, %get3A_44] : memref<128x50xf32, #tpu.memory_space<vmem>>, vector<128x50xf32>
    %get3A_46 = arith.constant 0 : index
    %get3A_47 = arith.constant 0 : index
    %get3A_48 = vector.load %arg9[%get3A_46, %get3A_47] : memref<1x50xf32, #tpu.memory_space<vmem>>, vector<1x50xf32>
    %dot_general3A_49 = arith.constant dense<0.000000e+00> : vector<2000x128xf32>
    %dot_general3A_50 = tpu.matmul %div3A_5, %get3A_39, %dot_general3A_49 {dimension_numbers = #tpu.dot_dimension_numbers<[1], [0], [0], [1], [0, 0, 1, 1], [], []>, transpose_lhs_hint = false} : vector<2000x128xf32>, vector<128x128xf32>, vector<2000x128xf32> -> vector<2000x128xf32>
    %add3A_51 = vector.broadcast %get3A_42 : vector<1x128xf32> to vector<2000x128xf32>
    %add3A_52 = arith.addf %dot_general3A_50, %add3A_51 : vector<2000x128xf32>
    %max3A_53 = arith.constant 0.000000e+00 : f32
    %max3A_54 = vector.broadcast %max3A_53 : f32 to vector<2000x128xf32>
    %max3A_55 = arith.maximumf %add3A_52, %max3A_54 : vector<2000x128xf32>
    %dot_general3A_56 = arith.constant dense<0.000000e+00> : vector<2000x50xf32>
    %dot_general3A_57 = tpu.matmul %max3A_55, %get3A_45, %dot_general3A_56 {dimension_numbers = #tpu.dot_dimension_numbers<[1], [0], [0], [1], [0, 0, 1, 1], [], []>, transpose_lhs_hint = false} : vector<2000x128xf32>, vector<128x50xf32>, vector<2000x50xf32> -> vector<2000x50xf32>
    %add3A_58 = vector.broadcast %get3A_48 : vector<1x50xf32> to vector<2000x50xf32>
    %add3A_59 = arith.addf %dot_general3A_57, %add3A_58 : vector<2000x50xf32>
    %logistic3A_60 = arith.negf %add3A_59 : vector<2000x50xf32>
    %logistic3A_61 = math.exp %logistic3A_60 : vector<2000x50xf32>
    %logistic3A_62 = arith.constant 1.000000e+00 : f32
    %logistic3A_63 = vector.broadcast %logistic3A_62 : f32 to vector<2000x50xf32>
    %logistic3A_64 = arith.addf %logistic3A_63, %logistic3A_61 : vector<2000x50xf32>
    %logistic3A_65 = arith.divf %logistic3A_63, %logistic3A_64 : vector<2000x50xf32>
    %swap3A_66 = arith.constant 0 : index
    %swap3A_67 = arith.constant 0 : index
    %swap3A_68 = vector.load %arg15[%swap3A_66, %swap3A_67] : memref<2000x50xf32, #tpu.memory_space<vmem>>, vector<2000x50xf32>
    tpu.vector_store %arg15[%swap3A_66, %swap3A_67], %logistic3A_65 {strides = array<i32>} : memref<2000x50xf32, #tpu.memory_space<vmem>>, vector<2000x50xf32>,
    %get3A_69 = arith.constant 0 : index
    %get3A_70 = arith.constant 0 : index
    %get3A_71 = vector.load %arg10[%get3A_69, %get3A_70] : memref<128x128xf32, #tpu.memory_space<vmem>>, vector<128x128xf32>
    %get3A_72 = arith.constant 0 : index
    %get3A_73 = arith.constant 0 : index
    %get3A_74 = vector.load %arg11[%get3A_72, %get3A_73] : memref<1x128xf32, #tpu.memory_space<vmem>>, vector<1x128xf32>
    %get3A_75 = arith.constant 0 : index
    %get3A_76 = arith.constant 0 : index
    %get3A_77 = vector.load %arg12[%get3A_75, %get3A_76] : memref<128x1000xf32, #tpu.memory_space<vmem>>, vector<128x1000xf32>
    %get3A_78 = arith.constant 0 : index
    %get3A_79 = arith.constant 0 : index
    %get3A_80 = vector.load %arg13[%get3A_78, %get3A_79] : memref<1x1000xf32, #tpu.memory_space<vmem>>, vector<1x1000xf32>
    %dot_general3A_81 = arith.constant dense<0.000000e+00> : vector<2000x128xf32>
    %dot_general3A_82 = tpu.matmul %div3A_5, %get3A_71, %dot_general3A_81 {dimension_numbers = #tpu.dot_dimension_numbers<[1], [0], [0], [1], [0, 0, 1, 1], [], []>, transpose_lhs_hint = false} : vector<2000x128xf32>, vector<128x128xf32>, vector<2000x128xf32> -> vector<2000x128xf32>
    %add3A_83 = vector.broadcast %get3A_74 : vector<1x128xf32> to vector<2000x128xf32>
    %add3A_84 = arith.addf %dot_general3A_82, %add3A_83 : vector<2000x128xf32>
    %max3A_85 = arith.constant 0.000000e+00 : f32
    %max3A_86 = vector.broadcast %max3A_85 : f32 to vector<2000x128xf32>
    %max3A_87 = arith.maximumf %add3A_84, %max3A_86 : vector<2000x128xf32>
    %dot_general3A_88 = arith.constant dense<0.000000e+00> : vector<2000x1000xf32>
    %dot_general3A_89 = tpu.matmul %max3A_87, %get3A_77, %dot_general3A_88 {dimension_numbers = #tpu.dot_dimension_numbers<[1], [0], [0], [1], [0, 0, 1, 1], [], []>, transpose_lhs_hint = false} : vector<2000x128xf32>, vector<128x1000xf32>, vector<2000x1000xf32> -> vector<2000x1000xf32>
    %add3A_90 = vector.broadcast %get3A_80 : vector<1x1000xf32> to vector<2000x1000xf32>
    %add3A_91 = arith.addf %dot_general3A_89, %add3A_90 : vector<2000x1000xf32>
    %logistic3A_92 = arith.negf %add3A_91 : vector<2000x1000xf32>
    %logistic3A_93 = math.exp %logistic3A_92 : vector<2000x1000xf32>
    %logistic3A_94 = arith.constant 1.000000e+00 : f32
    %logistic3A_95 = vector.broadcast %logistic3A_94 : f32 to vector<2000x1000xf32>
    %logistic3A_96 = arith.addf %logistic3A_95, %logistic3A_93 : vector<2000x1000xf32>
    %logistic3A_97 = arith.divf %logistic3A_95, %logistic3A_96 : vector<2000x1000xf32>
    %swap3A_98 = arith.constant 0 : index
    %swap3A_99 = arith.constant 0 : index
    %swap3A_100 = vector.load %arg16[%swap3A_98, %swap3A_99] : memref<2000x1000xf32, #tpu.memory_space<vmem>>, vector<2000x1000xf32>
    tpu.vector_store %arg16[%swap3A_98, %swap3A_99], %logistic3A_97 {strides = array<i32>} : memref<2000x1000xf32, #tpu.memory_space<vmem>>, vector<2000x1000xf32>,
    return
  }
  func.func @transform_0(%arg0: i32) -> (i32, i32) {
    %c0_i32 = arith.constant 0 : i32
    %c0_i32_0 = arith.constant 0 : i32
    return %arg0, %c0_i32 : i32, i32
  }
  func.func @transform_1(%arg0: i32) -> (i32, i32) {
    %c0_i32 = arith.constant 0 : i32
    %c0_i32_0 = arith.constant 0 : i32
    %c0_i32_1 = arith.constant 0 : i32
    return %c0_i32, %c0_i32_0 : i32, i32
  }
  func.func @transform_2(%arg0: i32) -> (i32, i32) {
    %c0_i32 = arith.constant 0 : i32
    %c0_i32_0 = arith.constant 0 : i32
    %c0_i32_1 = arith.constant 0 : i32
    return %c0_i32, %c0_i32_0 : i32, i32
  }
  func.func @transform_3(%arg0: i32) -> (i32, i32) {
    %c0_i32 = arith.constant 0 : i32
    %c0_i32_0 = arith.constant 0 : i32
    %c0_i32_1 = arith.constant 0 : i32
    return %c0_i32, %c0_i32_0 : i32, i32
  }
  func.func @transform_4(%arg0: i32) -> (i32, i32) {
    %c0_i32 = arith.constant 0 : i32
    %c0_i32_0 = arith.constant 0 : i32
    %c0_i32_1 = arith.constant 0 : i32
    return %c0_i32, %c0_i32_0 : i32, i32
  }
  func.func @transform_5(%arg0: i32) -> (i32, i32) {
    %c0_i32 = arith.constant 0 : i32
    %c0_i32_0 = arith.constant 0 : i32
    %c0_i32_1 = arith.constant 0 : i32
    return %c0_i32, %c0_i32_0 : i32, i32
  }
  func.func @transform_6(%arg0: i32) -> (i32, i32) {
    %c0_i32 = arith.constant 0 : i32
    %c0_i32_0 = arith.constant 0 : i32
    %c0_i32_1 = arith.constant 0 : i32
    return %c0_i32, %c0_i32_0 : i32, i32
  }
  func.func @transform_7(%arg0: i32) -> (i32, i32) {
    %c0_i32 = arith.constant 0 : i32
    %c0_i32_0 = arith.constant 0 : i32
    %c0_i32_1 = arith.constant 0 : i32
    return %c0_i32, %c0_i32_0 : i32, i32
  }
  func.func @transform_8(%arg0: i32) -> (i32, i32) {
    %c0_i32 = arith.constant 0 : i32
    %c0_i32_0 = arith.constant 0 : i32
    %c0_i32_1 = arith.constant 0 : i32
    return %c0_i32, %c0_i32_0 : i32, i32
  }
  func.func @transform_9(%arg0: i32) -> (i32, i32) {
    %c0_i32 = arith.constant 0 : i32
    %c0_i32_0 = arith.constant 0 : i32
    %c0_i32_1 = arith.constant 0 : i32
    return %c0_i32, %c0_i32_0 : i32, i32
  }
  func.func @transform_10(%arg0: i32) -> (i32, i32) {
    %c0_i32 = arith.constant 0 : i32
    %c0_i32_0 = arith.constant 0 : i32
    %c0_i32_1 = arith.constant 0 : i32
    return %c0_i32, %c0_i32_0 : i32, i32
  }
  func.func @transform_11(%arg0: i32) -> (i32, i32) {
    %c0_i32 = arith.constant 0 : i32
    %c0_i32_0 = arith.constant 0 : i32
    %c0_i32_1 = arith.constant 0 : i32
    return %c0_i32, %c0_i32_0 : i32, i32
  }
  func.func @transform_12(%arg0: i32) -> (i32, i32) {
    %c0_i32 = arith.constant 0 : i32
    %c0_i32_0 = arith.constant 0 : i32
    %c0_i32_1 = arith.constant 0 : i32
    return %c0_i32, %c0_i32_0 : i32, i32
  }
  func.func @transform_13(%arg0: i32) -> (i32, i32) {
    %c0_i32 = arith.constant 0 : i32
    %c0_i32_0 = arith.constant 0 : i32
    return %arg0, %c0_i32 : i32, i32
  }
  func.func @transform_14(%arg0: i32) -> (i32, i32) {
    %c0_i32 = arith.constant 0 : i32
    %c0_i32_0 = arith.constant 0 : i32
    return %arg0, %c0_i32 : i32, i32
  }
  func.func @transform_15(%arg0: i32) -> (i32, i32) {
    %c0_i32 = arith.constant 0 : i32
    %c0_i32_0 = arith.constant 0 : i32
    return %arg0, %c0_i32 : i32, i32
  }
  func.func @transform_16(%arg0: i32) -> (i32, i32) {
    %c0_i32 = arith.constant 0 : i32
    %c0_i32_0 = arith.constant 0 : i32
    return %arg0, %c0_i32 : i32, i32
  }
}

</mosaic_0001>

<sc_bundles>
// kernel: closed_call.14.cloned.1.call-start
scs
__scs_entry_jumppad:
0x0: {  	(pc) =	sbr.rel $0x88, $3  }
0x1: {  	(tag) =	ssettag $0x0;
	lr =	simm.s32 $0x1  }
0x2: {  	[smem:$0x3F79] =	sst lr;
	_ =	strace $0xD0000000  }
0x3: {  	_ = 	snop  }
0x4: {  	_ = 	snop  }
0x5: {  	_ = 	snop  }
0x6: {  	_ = 	snop  }
0x7: {  	_ = 	snop  }
__scs_overlays_trampoline_lowered:
0x8: {  	[smem:$0x3F88] =	sst s0  }
0x9: {  	[smem:$0x3F89] =	sst s1  }
0xa: {  	[smem:$0x3F8A] =	sst s2  }
0xb: {  	[smem:$0x3F8B] =	sst s3  }
0xc: {  	[smem:$0x3F8C] =	sst s4  }
0xd: {  	[smem:$0x3F8D] =	sst s5  }
0xe: {  	[smem:$0x3F8E] =	sst s6  }
0xf: {  	[smem:$0x3F8F] =	sst s7  }
0x10: {  	[smem:$0x3F90] =	sst s8  }
0x11: {  	[smem:$0x3F91] =	sst s9;
	s0 =	simm.s32 @!p0 $0x0  }
0x12: {  	s1 =	sld [smem:$0x3F77];
	s0 =	simm.s32 @p0 $0x1  }
0x13: {  	[smem:$0x3F92] =	sst s0;
	s0 =	simm.s32 @!p1 $0x0  }
0x14: {  	s2 =	sld [smem:$0x3F76];
	s0 =	simm.s32 @p1 $0x1  }
0x15: {  	[smem:$0x3F93] =	sst s0;
	s0 =	simm.s32 @!p2 $0x0  }
0x16: {  	s3 =	sld [smem:$0x3FDB];
	s0 =	simm.s32 @p2 $0x1  }
0x17: {  	s4 =	simm.s32 $0x1BF5;
	[smem:$0x3F95] =	sst s0  }
0x18: {  	s0 =	sld [smem:$0x3F78];
	_ =	swait.ge [sflag:s4], $0x0  }
0x19: {  	s7 =	sld [smem:$0x3F79]  }
0x1a: {  	s8 =	sadd.s32 $0xFFFFE003, lr  }
0x1b: {  	s9 =	sadd.s32 $0xFFFFFEF7, lr;
	s5 =	simm.s32 $0xFFFFFFFF;
	p2 =	slt.u32 s8, $0xFFFFF086  }
0x1c: {  	p1 =	slt.u32 s9, $0xF7A;
	s5 =	simm.s32 @!p2 $0x0  }
0x1d: {  	s5 =	simm.s32 @p1 $0x1;
	p0 =	seq.s32 s7, s2  }
0x1e: {  	s7 =	smul.u32 @!p0 $0xF7A, s2;
	p2 =	seq.s32 @!p0 s5, $0x0  }
0x1f: {  	s9 =	smul.u32 $0xF7A, s1;
	s8 =	simm.s32 @!p0 $0x1BF5;
	p2 =	por !p2, p0  }
0x20: {  	[sflag:s8] =	ssyncset.s32 @!p0 $0xFFFFF086;
	s6 =	sadd.s32 @!p0 s3, s7;
	s7 =	simm.s32 @!p0 $0x108  }
0x21: {  	s3 =	sadd.s32 s3, s9;
	s6 =	sadd.s32 @!p0 $0x88, s6;
	s7 =	simm.s32 @p2 $0x1082  }
0x22: {  	[simem:s7], [sflag:s8] =	dma.local @!p0 [hbm:s6], $0xF7A  }
0x23: {  	s9 =	sor.u32 $0xD0000000, s2;
	s6 =	simm.s32 $0x108;
	_ =	swait.ge @!p0 [sflag:s8], $0x0  }
0x24: {  	s3 =	sadd.s32 $0x88, s3;
	s6 =	simm.s32 @!p1 $0x1082;
	[sflag:s4] =	ssyncset.s32 $0xFFFFF086  }
0x25: {  	[simem:s6], [sflag:s4] =	dma.local [hbm:s3], $0xF7A  }
0x26: {  	[smem:$0x3F79] =	sst s1;
	(tag) =	ssettag s2;
	_ =	strace s9  }
0x27: {  	s1 =	sld [smem:$0x3F89]  }
0x28: {  	s2 =	sld [smem:$0x3F8A]  }
0x29: {  	s4 =	sld [smem:$0x3F8C]  }
0x2a: {  	p0 =	seq.s32 s5, $0x0;
	s5 =	sld [smem:$0x3F8D]  }
0x2b: {  	s6 =	sld [smem:$0x3F8E]  }
0x2c: {  	s7 =	sld [smem:$0x3F8F]  }
0x2d: {  	s3 =	simm.s32 $0x108;
	s8 =	sld [smem:$0x3F90]  }
0x2e: {  	s3 =	simm.s32 @!p0 $0x1082;
	s9 =	sld [smem:$0x3F91]  }
0x2f: {  	lr =	sadd.s32 s0, s3;
	s0 =	sld [smem:$0x3F88]  }
0x30: {  	s3 =	sld [smem:$0x3F8B]  }
0x31: {  	[smem:$0x3F94] =	sst s10  }
0x32: {  	s10 =	sld [smem:$0x3F92];
	_ =	sdelay $0x3  }
0x33: {  	p0 =	seq.s32 s10, $0x1;
	s10 =	sld [smem:$0x3F94];
	_ =	sdelay $0x3  }
0x34: {  	[smem:$0x3F94] =	sst s10  }
0x35: {  	s10 =	sld [smem:$0x3F93];
	_ =	sdelay $0x3  }
0x36: {  	p1 =	seq.s32 s10, $0x1;
	s10 =	sld [smem:$0x3F94];
	_ =	sdelay $0x3  }
0x37: {  	[smem:$0x3F94] =	sst s10  }
0x38: {  	s10 =	sld [smem:$0x3F95]  }
0x39: {  	_ = 	snop;
	(pc) =	sbr.ind lr, $3  }
0x3a: {  	_ = 	snop  }
0x3b: {  	_ = 	snop  }
0x3c: {  	p2 =	seq.s32 s10, $0x1;
	s10 =	sld [smem:$0x3F94]  }
0x3d: {  	_ =	shalt  }
0x3e: {  	_ =	shalt  }
0x3f: {  	_ =	shalt  }
0x40: {  	_ =	shalt  }
0x41: {  	_ =	shalt  }
0x42: {  	_ =	shalt  }
0x43: {  	_ =	shalt  }
0x44: {  	_ =	shalt  }
0x45: {  	_ =	shalt  }
0x46: {  	_ =	shalt  }
0x47: {  	_ =	shalt  }
0x48: {  	_ =	shalt  }
0x49: {  	_ =	shalt  }
0x4a: {  	_ =	shalt  }
0x4b: {  	_ =	shalt  }
0x4c: {  	_ =	shalt  }
0x4d: {  	_ =	shalt  }
0x4e: {  	_ =	shalt  }
0x4f: {  	_ =	shalt  }
0x50: {  	_ =	shalt  }
0x51: {  	_ =	shalt  }
0x52: {  	_ =	shalt  }
0x53: {  	_ =	shalt  }
0x54: {  	_ =	shalt  }
0x55: {  	_ =	shalt  }
0x56: {  	_ =	shalt  }
0x57: {  	_ =	shalt  }
0x58: {  	_ =	shalt  }
0x59: {  	_ =	shalt  }
0x5a: {  	_ =	shalt  }
0x5b: {  	_ =	shalt  }
0x5c: {  	_ =	shalt  }
0x5d: {  	_ =	shalt  }
0x5e: {  	_ =	shalt  }
0x5f: {  	_ =	shalt  }
0x60: {  	_ =	shalt  }
0x61: {  	_ =	shalt  }
0x62: {  	_ =	shalt  }
0x63: {  	_ =	shalt  }
0x64: {  	_ =	shalt  }
0x65: {  	_ =	shalt  }
0x66: {  	_ =	shalt  }
0x67: {  	_ =	shalt  }
0x68: {  	_ =	shalt  }
0x69: {  	_ =	shalt  }
0x6a: {  	_ =	shalt  }
0x6b: {  	_ =	shalt  }
0x6c: {  	_ =	shalt  }
0x6d: {  	_ =	shalt  }
0x6e: {  	_ =	shalt  }
0x6f: {  	_ =	shalt  }
0x70: {  	_ =	shalt  }
0x71: {  	_ =	shalt  }
0x72: {  	_ =	shalt  }
0x73: {  	_ =	shalt  }
0x74: {  	_ =	shalt  }
0x75: {  	_ =	shalt  }
0x76: {  	_ =	shalt  }
0x77: {  	_ =	shalt  }
0x78: {  	_ =	shalt  }
0x79: {  	_ =	shalt  }
0x7a: {  	_ =	shalt  }
0x7b: {  	_ =	shalt  }
0x7c: {  	_ =	shalt  }
0x7d: {  	_ =	shalt  }
0x7e: {  	_ =	shalt  }
0x7f: {  	_ =	shalt  }
0x80: {  	_ =	shalt  }
0x81: {  	_ =	shalt  }
0x82: {  	_ =	shalt  }
0x83: {  	_ =	shalt  }
0x84: {  	_ =	shalt  }
0x85: {  	_ =	shalt  }
0x86: {  	_ =	shalt  }
0x87: {  	_ =	shalt  }
.Lfunc_end0:
.L_simem_size_0:
called_computation_lowered:
.L_overlay_start_0:
0x88: {  	s2 =	sld [smem:$0x3FD9]  }
0x89: {  	s3 =	sld [smem:$0x3FFE];
	_ =	sdelay $0x1  }
0x8a: {  	s1 =	srdreg.scid  }
0x8b: {  	s0 =	sand.u32 $0x1, s1  }
0x8c: {  	s14 =	sshll.u32 s0, $0xA;
	s2 =	sadd.s32 s3, s2  }
0x8d: {  	s2 =	sadd.s32 s2, s14  }
0x8e: {  	[smem:$0x3FA0] =	sst s2  }
0x8f: {  	_ = 	snop  }
0x90: {  	s2 =	sld [smem:$0x3FD0];
	_ =	sdelay $0x2  }
0x91: {  	s15 =	simm.s32 $0xA;
	s4 =	simm.s32 $0x10  }
0x92: {  	[smem:s4], [sflag:s15] =	dma.local [hbm:s2], $0x1  }
0x93: {  	_ =	swait.eq [sflag:s15], $0x1  }
0x94: {  	s16 =	sld [smem:$0x10];
	[sflag:s15] =	ssyncset.done $0x0  }
0x95: {  	s17 =	sld [smem:$0x12];
	[sflag:s15] =	ssyncadd.s32 $0xFFFFFFFF  }
0x96: {  	s18 =	sld [smem:$0x13];
	(tm) =	ssettm $0x1  }
0x97: {  	s5 =	sld [smem:$0x3FFB];
	_ =	sdelay $0x3  }
0x98: {  	_ =	strace s5  }
0x99: {  	s5 =	sld [smem:$0x3FFC];
	_ =	sdelay $0x3  }
0x9a: {  	_ =	strace s5  }
0x9b: {  	s5 =	sld [smem:$0x3FFD];
	_ =	sdelay $0x3  }
0x9c: {  	_ =	strace s5  }
0x9d: {  	_ =	strace $0x8FFFFFFF  }
0x9e: {  	s19 =	sld [smem:$0x3FDB];
	_ =	sdelay $0x1  }
0x9f: {  	s6 =	simm.s32 $_scs_section_size  }
0xa0: {  	s7 =	simm.s32 $_size__tile_overlayer_lowered;
	s8 =	simm.s32 $_tile_overlayer_lowered  }
0xa1: {  	s22 =	simm.s32 $0x1BFF;
	s21 =	sshll.u32 s8, $0x1;
	s5 =	sadd.s32 s6, s19  }
0xa2: {  	s9 =	simm.s32 $0x0;
	s20 =	sshll.u32 s7, $0x1;
	s7 =	sadd.s32 s21, s5  }
0xa3: {  	[timem:s9], [sflag:s22] =	dma.local [hbm:s7], s20  }
0xa4: {  	_ =	swait.ge [sflag:s22], s20  }
0xa5: {  	s6 =	ssub.s32 $0x0, s20;
	[sflag:s22] =	ssyncset.done $0x0  }
0xa6: {  	[sflag:s22] =	ssyncadd.s32 s6;
	_ =	sdelay $0x1  }
0xa7: {  	s23 =	simm.s32 $0x1B8B  }
0xa8: {  	_ =	swait.ge [sflag:s23], $0x1  }
0xa9: {  	[sflag:s23] =	ssyncset.done $0x0  }
0xaa: {  	s25 =	simm.s32 $0x1B8E;
	s24 =	sld [smem:$0x3FFE];
	[sflag:s23] =	ssyncadd.s32 $0xFFFFFFFF  }
0xab: {  	s26 =	simm.s32 $execute0_lowered;
	[smem:$0x3FD2] =	sst s25  }
0xac: {  	s7 =	sshll.u32 s26, $0x1;
	_ =	strace $0x80000049;
	[dreg:$0x1] =	wrdreg $0xFFFFFFFF  }
0xad: {  	s28 =	simm.s32 $_size_execute0_lowered;
	s5 =	sadd.s32 s5, s7;
	[dreg:$0x0] =	wrdreg $0x0  }
0xae: {  	s7 =	sshll.u32 s28, $0x1;
	[dreg:$0x2] =	wrdreg s5  }
0xaf: {  	[dreg:$0x3] =	wrdreg s7  }
0xb0: {  	[dreg:$0x4] =	wrdreg $0xC0  }
0xb1: {  	_ =	task [dreg:s9], $0x5FFFF  }
0xb2: {  	[dreg:$0x1] =	wrdreg $0xFFFFFFFF  }
0xb3: {  	[dreg:$0x0] =	wrdreg $0x60  }
0xb4: {  	[dreg:$0x2] =	wrdreg s18  }
0xb5: {  	[dreg:$0x3] =	wrdreg s17  }
0xb6: {  	[dreg:$0x4] =	wrdreg s24  }
0xb7: {  	[dreg:$0x5] =	wrdreg s16  }
0xb8: {  	[dreg:$0x6] =	wrdreg $0xF0000  }
0xb9: {  	[dreg:$0x7] =	wrdreg $0x9  }
0xba: {  	_ =	task.clear_ibuf [dreg:s9], $0x8FFFF;
	_ =	strace $0x90000049  }
0xbb: {  	s29 =	simm.s32 $0x9;
	_ =	strace $0x8000004B  }
0xbc: {  	_ =	swait.ge [sflag:s29], $0x1  }
0xbd: {  	[sflag:s29] =	ssyncadd.s32 $0xFFFFFFFF  }
0xbe: {  	_ =	strace $0x9000004B  }
0xbf: {  	_ =	sfence  }
0xc0: {  	s30 =	sld [smem:$0x0];
	_ =	sdelay $0x2  }
0xc1: {  	s31 =	sshll.u32 s1, $0xD;
	s1 =	sshrl.u32 s1, $0x2  }
0xc2: {  	s3 =	sand.u32 $0x4000, s31;
	s1 =	sadd.s32 s1, s30  }
0xc3: {  	s0 =	sor.u32 s3, s0;
	s1 =	sshll.u32 s1, $0x11  }
0xc4: {  	s0 =	sor.u32 s1, s0  }
0xc5: {  	s0 =	sadd.s32 $0x8F2B, s0  }
0xc6: {  	[sflag:s0] =	ssyncadd.remote.s32 $0x1  }
0xc7: {  	_ =	sfence.sel $0xFFFF  }
0xc8: {  	[dreg:$0x0] =	wrdreg $0xFFFFFFFF;
	(pc) =	sbr.abs _section_cstart, $3  }
0xc9: {  	[dreg:$0x1] =	wrdreg $0xFFFFFFFF  }
0xca: {  	_ =	task.clear_ibuf [dreg:s9], $0x2FFFF;
	_ =	strace $0x9FFFFFFF  }
0xcb: {  	(tm) =	ssettm $0x7FFFFFFF  }
tec
execute0_lowered:
.L_overlay_start_1:
0x0: {  	(tag) =	ssettag $0x1  }
0x1: {  	s0 =	rddreg [dreg:$0x0]  }
0x2: {  	s1 =	rddreg [dreg:$0x1]  }
0x3: {  	s2 =	rddreg [dreg:$0x2];
	s9 =	stileid.u32  }
0x4: {  	s3 =	srdreg.scid;
	s7 =	smul.u32 $0x5000, s9  }
0x5: {  	s5 =	rddreg [dreg:$0x4];
	s6 =	simm.s32 $0x0;
	s8 =	smul.u32 $0xA000, s9  }
0x6: {  	s28 =	simm.s32 $0xC000;
	s3 =	sand.u32 $0x1, s3;
	s9 =	smul.u32 $0x28000, s9  }
0x7: {  	s29 =	simm.s32 $0x1;
	s30 =	simm.s32 $0x3;
	s4 =	smul.u32 $0x50000, s3  }
0x8: {  	[smem:$0x7FF] =	sst s6;
	s22 =	smul.u32 $0xA0000, s3;
	s3 =	ssub.s32 $0x2, s3  }
0x9: {  	s31 =	simm.s32 $0x2;
	_ =	strace $0x8000004A;
	s10 =	sshrl.u32 s3, $0x1  }
0xa: {  	s23 =	sshrl.u32 s9, $0x2;
	s9 =	sadd.s32 s8, s5;
	s4 =	sadd.s32 s7, s4  }
0xb: {  	s7 =	sadd.s32 s8, s22;
	s3 =	ssub.s32 s3, s10;
	s25 =	sadd.s32 s23, s5  }
0xc: {  	s22 =	simm.s32 $0x5;
	s4 =	sshrl.u32 s4, $0x3;
	s7 =	sshrl.u32 s7, $0x3  }
0xd: {  	s10 =	sadd.s32 $0x1000, s25;
	s11 =	sadd.s32 $0x2000, s25;
	s12 =	sadd.s32 $0x3000, s25  }
0xe: {  	s13 =	sadd.s32 $0x4000, s25;
	s14 =	sadd.s32 $0x5000, s25;
	s15 =	sadd.s32 $0x6000, s25  }
0xf: {  	s16 =	sadd.s32 $0x7000, s25;
	s17 =	sadd.s32 $0x8000, s25;
	s4 =	sadd.s32 s4, s2  }
0x10: {  	s18 =	sadd.s32 $0x9000, s25;
	s21 =	smax.u32 s3, $0x1;
	s24 =	sadd.s32 $0x20E00, s4  }
0x11: {  	s2 =	sadd.s32 s7, s2;
	s4 =	sadd.s32 $0x7800, s4;
	[dreg:$0x6] =	wrdreg s24  }
0x12: {  	s25 =	simm.s32 $0x80;
	s26 =	sadd.s32 $0x83200, s2;
	[dreg:$0x7] =	wrdreg s4  }
0x13: {  	s3 =	simm.s32 $0x4;
	s20 =	sadd.s32 $0xAB200, s2;
	[dreg:$0x8] =	wrdreg s26  }
0x14: {  	s24 =	simm.s32 $0xE000;
	s26 =	simm.s32 $0xA000;
	s4 =	simm.s32 $0x0  }
.LBB2_1:
0x15: {  	s2 =	rddreg [dreg:$0x6]  }
0x16: {  	[tilespmem:s6], [sflag:$0x5] =	stream.linear.gather [hbm4b:s2+s6], $0x5000, $0x38;
	[tilespmem:$0x19000] =	vst v63  }
0x17: {  	_ =	swait.ge [sflag:s22], $0x5000  }
0x18: {  	[sflag:s22] =	ssyncset.done $0x0  }
0x19: {  	s7 =	simm.s32 $0x5000;
	s23 =	rddreg [dreg:$0x7];
	[sflag:s22] =	ssyncadd.s32 $0xFFFFB000  }
0x1a: {  	[tilespmem:s7], [sflag:$0x5] =	stream.linear.gather [hbm4b:s23+s6], $0x5000, $0x38;
	[tilespmem:$0x19000] =	vst v63  }
0x1b: {  	_ =	swait.ge [sflag:s22], $0x5000  }
0x1c: {  	[sflag:s22] =	ssyncset.done $0x0  }
0x1d: {  	[sflag:s22] =	ssyncadd.s32 $0xFFFFB000  }
0x1e: {  	s7 =	rddreg [dreg:$0x3]  }
0x1f: {  	[tilespmem:s24], [sflag:$0x5] =	stream.linear.gather [hbm4b:s7+s6], $0x1000, $0x38;
	[tilespmem:$0x19000] =	vst v63  }
0x20: {  	_ =	swait.ge [sflag:s22], $0x1000  }
0x21: {  	[sflag:s22] =	ssyncset.done $0x0  }
0x22: {  	[sflag:s22] =	ssyncadd.s32 $0xFFFFF000  }
0x23: {  	[spmem:s9] =	stream.linear.scatter [tilespmem:s24], [sflag:$0x5], $0x1000, $0x38;
	[tilespmem:$0x19000] =	vst v63  }
0x24: {  	_ =	swait.ge [sflag:s22], $0x1000  }
0x25: {  	[sflag:s22] =	ssyncset.done $0x0  }
0x26: {  	[sflag:s22] =	ssyncadd.s32 $0xFFFFF000  }
0x27: {  	[spmem:s10] =	stream.linear.scatter [tilespmem:s24], [sflag:$0x5], $0x1000, $0x38;
	[tilespmem:$0x19000] =	vst v63  }
0x28: {  	_ =	swait.ge [sflag:s22], $0x1000  }
0x29: {  	[sflag:s22] =	ssyncset.done $0x0  }
0x2a: {  	[sflag:s22] =	ssyncadd.s32 $0xFFFFF000  }
0x2b: {  	[spmem:s11] =	stream.linear.scatter [tilespmem:s24], [sflag:$0x5], $0x1000, $0x38;
	[tilespmem:$0x19000] =	vst v63  }
0x2c: {  	_ =	swait.ge [sflag:s22], $0x1000  }
0x2d: {  	[sflag:s22] =	ssyncset.done $0x0  }
0x2e: {  	[sflag:s22] =	ssyncadd.s32 $0xFFFFF000  }
0x2f: {  	[spmem:s12] =	stream.linear.scatter [tilespmem:s24], [sflag:$0x5], $0x1000, $0x38;
	[tilespmem:$0x19000] =	vst v63  }
0x30: {  	_ =	swait.ge [sflag:s22], $0x1000  }
0x31: {  	[sflag:s22] =	ssyncset.done $0x0  }
0x32: {  	[sflag:s22] =	ssyncadd.s32 $0xFFFFF000  }
0x33: {  	[spmem:s13] =	stream.linear.scatter [tilespmem:s24], [sflag:$0x5], $0x1000, $0x38;
	[tilespmem:$0x19000] =	vst v63  }
0x34: {  	_ =	swait.ge [sflag:s22], $0x1000  }
0x35: {  	[sflag:s22] =	ssyncset.done $0x0  }
0x36: {  	[sflag:s22] =	ssyncadd.s32 $0xFFFFF000  }
0x37: {  	[spmem:s14] =	stream.linear.scatter [tilespmem:s24], [sflag:$0x5], $0x1000, $0x38;
	[tilespmem:$0x19000] =	vst v63  }
0x38: {  	_ =	swait.ge [sflag:s22], $0x1000  }
0x39: {  	[sflag:s22] =	ssyncset.done $0x0  }
0x3a: {  	[sflag:s22] =	ssyncadd.s32 $0xFFFFF000  }
0x3b: {  	[spmem:s15] =	stream.linear.scatter [tilespmem:s24], [sflag:$0x5], $0x1000, $0x38;
	[tilespmem:$0x19000] =	vst v63  }
0x3c: {  	_ =	swait.ge [sflag:s22], $0x1000  }
0x3d: {  	[sflag:s22] =	ssyncset.done $0x0  }
0x3e: {  	[sflag:s22] =	ssyncadd.s32 $0xFFFFF000  }
0x3f: {  	[spmem:s16] =	stream.linear.scatter [tilespmem:s24], [sflag:$0x5], $0x1000, $0x38;
	[tilespmem:$0x19000] =	vst v63  }
0x40: {  	_ =	swait.ge [sflag:s22], $0x1000  }
0x41: {  	[sflag:s22] =	ssyncset.done $0x0  }
0x42: {  	[sflag:s22] =	ssyncadd.s32 $0xFFFFF000  }
0x43: {  	[spmem:s17] =	stream.linear.scatter [tilespmem:s24], [sflag:$0x5], $0x1000, $0x38;
	[tilespmem:$0x19000] =	vst v63  }
0x44: {  	_ =	swait.ge [sflag:s22], $0x1000  }
0x45: {  	[sflag:s22] =	ssyncset.done $0x0  }
0x46: {  	[sflag:s22] =	ssyncadd.s32 $0xFFFFF000  }
0x47: {  	[spmem:s18] =	stream.linear.scatter [tilespmem:s24], [sflag:$0x5], $0x1000, $0x38;
	[tilespmem:$0x19000] =	vst v63  }
0x48: {  	_ =	swait.ge [sflag:s22], $0x1000  }
0x49: {  	[sflag:s22] =	ssyncset.done $0x0  }
0x4a: {  	[sflag:s22] =	ssyncadd.s32 $0xFFFFF000  }
0x4b: {  	[bflag:$0x0] =	sbarrier.arrive $0xFFFF  }
0x4c: {  	[tilespmem:s26], [sflag:$0x1] =	stream.indirect.gather [hbm4b:s0+s25], $0x40, s6, s25, $0xb8;
	[tilespmem:$0x19000] =	vst v63  }
0x4d: {  	_ = 	snop  }
0x4e: {  	[tilespmem:s28], [sflag:$0x2] =	stream.indirect.gather [hbm4b:s0+s25], $0x40, s25, s25, $0xb8;
	[tilespmem:$0x19000] =	vst v63  }
0x4f: {  	_ =	swait.ge [sflag:s29], $0x2000  }
0x50: {  	[sflag:s29] =	ssyncset.done $0x0  }
0x51: {  	s8 =	simm.s32 $0x5000;
	[sflag:s29] =	ssyncadd.s32 $0xFFFFE000  }
0x52: {  	[spmem:s5] =	stream.indirect.scatter.add.f32 [tilespmem:s26], [sflag:$0x3], $0x40, s8, s25, $0xb8;
	[tilespmem:$0x19000] =	vst v63  }
0x53: {  	_ =	swait.ge [sflag:s30], $0x2000  }
0x54: {  	[sflag:s30] =	ssyncset.done $0x0  }
0x55: {  	s19 =	simm.s32 $0x100;
	[sflag:s30] =	ssyncadd.s32 $0xFFFFE000  }
0x56: {  	[tilespmem:s26], [sflag:$0x1] =	stream.indirect.gather [hbm4b:s0+s25], $0x40, s19, s25, $0xb8;
	[tilespmem:$0x19000] =	vst v63  }
0x57: {  	_ =	swait.ge [sflag:s31], $0x2000  }
0x58: {  	[sflag:s31] =	ssyncset.done $0x0  }
0x59: {  	s23 =	simm.s32 $0x5080;
	[sflag:s31] =	ssyncadd.s32 $0xFFFFE000  }
0x5a: {  	[spmem:s5] =	stream.indirect.scatter.add.f32 [tilespmem:s28], [sflag:$0x4], $0x40, s23, s25, $0xb8;
	[tilespmem:$0x19000] =	vst v63  }
0x5b: {  	_ =	swait.ge [sflag:s3], $0x2000  }
0x5c: {  	[sflag:s3] =	ssyncset.done $0x0  }
0x5d: {  	s2 =	simm.s32 $0x400;
	s7 =	simm.s32 $0x180;
	[sflag:s3] =	ssyncadd.s32 $0xFFFFE000  }
.LBB2_2:
0x5e: {  	[tilespmem:s28], [sflag:$0x2] =	stream.indirect.gather [hbm4b:s0+s25], $0x40, s7, s25, $0xb8;
	[tilespmem:$0x19000] =	vst v63  }
0x5f: {  	s7 =	smov.u32 s2  }
0x60: {  	p0 =	sne.s32 s2, $0x13800;
	s2 =	sadd.s32 $0x400, s2;
	_ =	swait.ge [sflag:s29], $0x2000  }
0x61: {  	s7 =	sshra.s32 s7, $0x2;
	[sflag:s29] =	ssyncset.done $0x0  }
0x62: {  	s8 =	sadd.s32 $0x5000, s7;
	[sflag:s29] =	ssyncadd.s32 $0xFFFFE000  }
0x63: {  	[spmem:s5] =	stream.indirect.scatter.add.f32 [tilespmem:s26], [sflag:$0x3], $0x40, s8, s25, $0xb8;
	[tilespmem:$0x19000] =	vst v63  }
0x64: {  	_ =	swait.ge [sflag:s30], $0x2000  }
0x65: {  	[sflag:s30] =	ssyncset.done $0x0  }
0x66: {  	s8 =	sadd.s32 $0x100, s7;
	[sflag:s30] =	ssyncadd.s32 $0xFFFFE000  }
0x67: {  	[tilespmem:s26], [sflag:$0x1] =	stream.indirect.gather [hbm4b:s0+s25], $0x40, s8, s25, $0xb8;
	[tilespmem:$0x19000] =	vst v63  }
0x68: {  	_ =	swait.ge [sflag:s31], $0x2000  }
0x69: {  	[sflag:s31] =	ssyncset.done $0x0  }
.Ltmp0:
0x6a: {  	s8 =	sadd.s32 $0x5080, s7;
	[sflag:s31] =	ssyncadd.s32 $0xFFFFE000;
	(pc) =	sbr.rel @p0 .LBB2_2-.Ltmp0, $4  }
0x6b: {  	[spmem:s5] =	stream.indirect.scatter.add.f32 [tilespmem:s28], [sflag:$0x4], $0x40, s8, s25, $0xb8;
	[tilespmem:$0x19000] =	vst v63  }
0x6c: {  	_ =	swait.ge [sflag:s3], $0x2000  }
0x6d: {  	[sflag:s3] =	ssyncset.done $0x0  }
0x6e: {  	s7 =	sadd.s32 $0x180, s7;
	[sflag:s3] =	ssyncadd.s32 $0xFFFFE000  }
0x6f: {  	[tilespmem:s28], [sflag:$0x2] =	stream.indirect.gather [hbm4b:s0+s25], $0x40, s7, s25, $0xb8;
	[tilespmem:$0x19000] =	vst v63  }
0x70: {  	_ =	swait.ge [sflag:s29], $0x2000  }
0x71: {  	[sflag:s29] =	ssyncset.done $0x0  }
0x72: {  	[sflag:s29] =	ssyncadd.s32 $0xFFFFE000  }
0x73: {  	_ =	swait.ge [sflag:s31], $0x2000  }
0x74: {  	[sflag:s31] =	ssyncset.done $0x0  }
0x75: {  	s2 =	stileid.u32;
	[sflag:s31] =	ssyncadd.s32 $0xFFFFE000  }
0x76: {  	s2 =	sshll.u32 s2, $0x6;
	[bflag:$0x0] =	sbarrier.arrive $0xFFFF  }
0x77: {  	s23 =	sshrl.u32 s9, $0x3;
	s2 =	sor.u32 $0x1C05, s2;
	s19 =	rddreg [dreg:$0x8]  }
0x78: {  	[hbm:s19], [sflag:s2] =	dma.local [spmem:s23], $0x1400  }
0x79: {  	_ =	swait.ge [sflag:s22], $0x1400  }
0x7a: {  	[sflag:s22] =	ssyncset.done $0x0  }
0x7b: {  	[sflag:s22] =	ssyncadd.s32 $0xFFFFEC00  }
0x7c: {  	[spmem:s9] =	stream.linear.scatter [tilespmem:s24], [sflag:$0x5], $0x1000, $0x38;
	[tilespmem:$0x19000] =	vst v63  }
0x7d: {  	_ =	swait.ge [sflag:s22], $0x1000  }
0x7e: {  	[sflag:s22] =	ssyncset.done $0x0  }
0x7f: {  	[sflag:s22] =	ssyncadd.s32 $0xFFFFF000  }
0x80: {  	[spmem:s10] =	stream.linear.scatter [tilespmem:s24], [sflag:$0x5], $0x1000, $0x38;
	[tilespmem:$0x19000] =	vst v63  }
0x81: {  	_ =	swait.ge [sflag:s22], $0x1000  }
0x82: {  	[sflag:s22] =	ssyncset.done $0x0  }
0x83: {  	[sflag:s22] =	ssyncadd.s32 $0xFFFFF000  }
0x84: {  	[spmem:s11] =	stream.linear.scatter [tilespmem:s24], [sflag:$0x5], $0x1000, $0x38;
	[tilespmem:$0x19000] =	vst v63  }
0x85: {  	_ =	swait.ge [sflag:s22], $0x1000  }
0x86: {  	[sflag:s22] =	ssyncset.done $0x0  }
0x87: {  	[sflag:s22] =	ssyncadd.s32 $0xFFFFF000  }
0x88: {  	[spmem:s12] =	stream.linear.scatter [tilespmem:s24], [sflag:$0x5], $0x1000, $0x38;
	[tilespmem:$0x19000] =	vst v63  }
0x89: {  	_ =	swait.ge [sflag:s22], $0x1000  }
0x8a: {  	[sflag:s22] =	ssyncset.done $0x0  }
0x8b: {  	[sflag:s22] =	ssyncadd.s32 $0xFFFFF000  }
0x8c: {  	[spmem:s13] =	stream.linear.scatter [tilespmem:s24], [sflag:$0x5], $0x1000, $0x38;
	[tilespmem:$0x19000] =	vst v63  }
0x8d: {  	_ =	swait.ge [sflag:s22], $0x1000  }
0x8e: {  	[sflag:s22] =	ssyncset.done $0x0  }
0x8f: {  	[sflag:s22] =	ssyncadd.s32 $0xFFFFF000  }
0x90: {  	[spmem:s14] =	stream.linear.scatter [tilespmem:s24], [sflag:$0x5], $0x1000, $0x38;
	[tilespmem:$0x19000] =	vst v63  }
0x91: {  	_ =	swait.ge [sflag:s22], $0x1000  }
0x92: {  	[sflag:s22] =	ssyncset.done $0x0  }
0x93: {  	[sflag:s22] =	ssyncadd.s32 $0xFFFFF000  }
0x94: {  	[spmem:s15] =	stream.linear.scatter [tilespmem:s24], [sflag:$0x5], $0x1000, $0x38;
	[tilespmem:$0x19000] =	vst v63  }
0x95: {  	_ =	swait.ge [sflag:s22], $0x1000  }
0x96: {  	[sflag:s22] =	ssyncset.done $0x0  }
0x97: {  	[sflag:s22] =	ssyncadd.s32 $0xFFFFF000  }
0x98: {  	[spmem:s16] =	stream.linear.scatter [tilespmem:s24], [sflag:$0x5], $0x1000, $0x38;
	[tilespmem:$0x19000] =	vst v63  }
0x99: {  	_ =	swait.ge [sflag:s22], $0x1000  }
0x9a: {  	[sflag:s22] =	ssyncset.done $0x0  }
0x9b: {  	[sflag:s22] =	ssyncadd.s32 $0xFFFFF000  }
0x9c: {  	[spmem:s17] =	stream.linear.scatter [tilespmem:s24], [sflag:$0x5], $0x1000, $0x38;
	[tilespmem:$0x19000] =	vst v63  }
0x9d: {  	_ =	swait.ge [sflag:s22], $0x1000  }
0x9e: {  	[sflag:s22] =	ssyncset.done $0x0  }
0x9f: {  	[sflag:s22] =	ssyncadd.s32 $0xFFFFF000  }
0xa0: {  	[spmem:s18] =	stream.linear.scatter [tilespmem:s24], [sflag:$0x5], $0x1000, $0x38;
	[tilespmem:$0x19000] =	vst v63  }
0xa1: {  	_ =	swait.ge [sflag:s22], $0x1000  }
0xa2: {  	[sflag:s22] =	ssyncset.done $0x0  }
0xa3: {  	[sflag:s22] =	ssyncadd.s32 $0xFFFFF000  }
0xa4: {  	s8 =	simm.s32 $0x0;
	[bflag:$0x0] =	sbarrier.arrive $0xFFFF  }
0xa5: {  	[tilespmem:s26], [sflag:$0x1] =	stream.indirect.gather [hbm4b:s1+s25], $0x40, s8, s25, $0xb8;
	[tilespmem:$0x19000] =	vst v63  }
0xa6: {  	_ = 	snop  }
0xa7: {  	[tilespmem:s28], [sflag:$0x2] =	stream.indirect.gather [hbm4b:s1+s25], $0x40, s25, s25, $0xb8;
	[tilespmem:$0x19000] =	vst v63  }
0xa8: {  	_ =	swait.ge [sflag:s29], $0x2000  }
0xa9: {  	[sflag:s29] =	ssyncset.done $0x0  }
0xaa: {  	s19 =	simm.s32 $0x5000;
	[sflag:s29] =	ssyncadd.s32 $0xFFFFE000  }
0xab: {  	[spmem:s5] =	stream.indirect.scatter.add.f32 [tilespmem:s26], [sflag:$0x3], $0x40, s19, s25, $0xb8;
	[tilespmem:$0x19000] =	vst v63  }
0xac: {  	_ =	swait.ge [sflag:s30], $0x2000  }
0xad: {  	[sflag:s30] =	ssyncset.done $0x0  }
0xae: {  	s8 =	simm.s32 $0x100;
	[sflag:s30] =	ssyncadd.s32 $0xFFFFE000  }
0xaf: {  	[tilespmem:s26], [sflag:$0x1] =	stream.indirect.gather [hbm4b:s1+s25], $0x40, s8, s25, $0xb8;
	[tilespmem:$0x19000] =	vst v63  }
0xb0: {  	_ =	swait.ge [sflag:s31], $0x2000  }
0xb1: {  	[sflag:s31] =	ssyncset.done $0x0  }
0xb2: {  	s19 =	simm.s32 $0x5080;
	[sflag:s31] =	ssyncadd.s32 $0xFFFFE000  }
0xb3: {  	[spmem:s5] =	stream.indirect.scatter.add.f32 [tilespmem:s28], [sflag:$0x4], $0x40, s19, s25, $0xb8;
	[tilespmem:$0x19000] =	vst v63  }
0xb4: {  	_ =	swait.ge [sflag:s3], $0x2000  }
0xb5: {  	[sflag:s3] =	ssyncset.done $0x0  }
0xb6: {  	s7 =	simm.s32 $0x400;
	s8 =	simm.s32 $0x180;
	[sflag:s3] =	ssyncadd.s32 $0xFFFFE000  }
.LBB2_4:
0xb7: {  	[tilespmem:s28], [sflag:$0x2] =	stream.indirect.gather [hbm4b:s1+s25], $0x40, s8, s25, $0xb8;
	[tilespmem:$0x19000] =	vst v63  }
0xb8: {  	s8 =	smov.u32 s7  }
0xb9: {  	p0 =	sne.s32 s7, $0x13800;
	s7 =	sadd.s32 $0x400, s7;
	_ =	swait.ge [sflag:s29], $0x2000  }
0xba: {  	s8 =	sshra.s32 s8, $0x2;
	[sflag:s29] =	ssyncset.done $0x0  }
0xbb: {  	s19 =	sadd.s32 $0x5000, s8;
	[sflag:s29] =	ssyncadd.s32 $0xFFFFE000  }
0xbc: {  	[spmem:s5] =	stream.indirect.scatter.add.f32 [tilespmem:s26], [sflag:$0x3], $0x40, s19, s25, $0xb8;
	[tilespmem:$0x19000] =	vst v63  }
0xbd: {  	_ =	swait.ge [sflag:s30], $0x2000  }
0xbe: {  	[sflag:s30] =	ssyncset.done $0x0  }
0xbf: {  	s19 =	sadd.s32 $0x100, s8;
	[sflag:s30] =	ssyncadd.s32 $0xFFFFE000  }
0xc0: {  	[tilespmem:s26], [sflag:$0x1] =	stream.indirect.gather [hbm4b:s1+s25], $0x40, s19, s25, $0xb8;
	[tilespmem:$0x19000] =	vst v63  }
0xc1: {  	_ =	swait.ge [sflag:s31], $0x2000  }
0xc2: {  	[sflag:s31] =	ssyncset.done $0x0  }
.Ltmp1:
0xc3: {  	s19 =	sadd.s32 $0x5080, s8;
	[sflag:s31] =	ssyncadd.s32 $0xFFFFE000;
	(pc) =	sbr.rel @p0 .LBB2_4-.Ltmp1, $4  }
0xc4: {  	[spmem:s5] =	stream.indirect.scatter.add.f32 [tilespmem:s28], [sflag:$0x4], $0x40, s19, s25, $0xb8;
	[tilespmem:$0x19000] =	vst v63  }
0xc5: {  	_ =	swait.ge [sflag:s3], $0x2000  }
0xc6: {  	[sflag:s3] =	ssyncset.done $0x0  }
0xc7: {  	s8 =	sadd.s32 $0x180, s8;
	[sflag:s3] =	ssyncadd.s32 $0xFFFFE000  }
0xc8: {  	[tilespmem:s28], [sflag:$0x2] =	stream.indirect.gather [hbm4b:s1+s25], $0x40, s8, s25, $0xb8;
	[tilespmem:$0x19000] =	vst v63  }
0xc9: {  	_ =	swait.ge [sflag:s29], $0x2000  }
0xca: {  	[sflag:s29] =	ssyncset.done $0x0  }
0xcb: {  	[sflag:s29] =	ssyncadd.s32 $0xFFFFE000  }
0xcc: {  	_ =	swait.ge [sflag:s31], $0x2000  }
0xcd: {  	s4 =	sadd.s32 $0x1, s4;
	[sflag:s31] =	ssyncset.done $0x0  }
0xce: {  	p0 =	sne.s32 s4, s21;
	[sflag:s31] =	ssyncadd.s32 $0xFFFFE000  }
.Ltmp2:
0xcf: {  	[bflag:$0x0] =	sbarrier.arrive $0xFFFF;
	(pc) =	sbr.rel @p0 .LBB2_1-.Ltmp2, $4  }
0xd0: {  	[hbm:s20], [sflag:s2] =	dma.local [spmem:s23], $0x1400  }
0xd1: {  	_ =	swait.ge [sflag:s22], $0x1400  }
0xd2: {  	[sflag:s22] =	ssyncset.done $0x0  }
0xd3: {  	[sflag:s22] =	ssyncadd.s32 $0xFFFFEC00  }
0xd4: {  	_ =	sfence.sel $0x180000  }
0xd5: {  	[bflag:$0x0] =	sbarrier.arrive $0xFFFF  }
0xd6: {  	_ =	strace $0x9000004A  }
0xd7: {  	s0 =	stileid.u32;
	[bflag:$0x2] =	sbarrier.arrive $0xFFFF  }
0xd8: {  	p0 =	sne.s32 s0, $0x0;
	s0 =	rddreg [dreg:$0x5]  }
0xd9: {  	s0 =	sadd.s32 @!p0 $0x100000, s0  }
0xda: {  	[sflag:s0] =	ssyncadd.tile.s32 @!p0 $0x1;
	_ =	shalt  }
.Lfunc_end2:
_tile_overlayer_lowered:
.L_overlay_start_2:
0xdb: {  	(tag) =	ssettag $0x2  }
0xdc: {  	s0 =	rddreg [dreg:$0x0];
	s2 =	stileid.u32  }
0xdd: {  	s1 =	rddreg [dreg:$0x1];
	p0 =	sne.s32 s2, $0x0  }
0xde: {  	s3 =	rddreg [dreg:$0x2];
	[bflag:$0x3] =	sbarrier.arrive $0xFFFF;
	s2 =	simm.s32 @!p0 $0x1C05  }
0xdf: {  	[timem:s3], [sflag:s2] =	dma.local @!p0 [hbm:s0], s1  }
0xe0: {  	s0 =	simm.s32 @!p0 $0x5  }
0xe1: {  	_ =	swait.ge @!p0 [sflag:s0], s1  }
0xe2: {  	s1 =	ssub.s32 @!p0 $0x0, s1;
	[sflag:s0] =	ssyncset.done @!p0 $0x0  }
0xe3: {  	[sflag:s0] =	ssyncadd.s32 @!p0 s1  }
0xe4: {  	[bflag:$0x3] =	sbarrier.arrive $0xFFFF  }
0xe5: {  	_ =	shalt  }

// kernel: kernel.6.cloned.1.call-start
scs
__scs_entry_jumppad:
0x0: {  	(pc) =	sbr.rel $0x88, $3  }
0x1: {  	(tag) =	ssettag $0x0;
	lr =	simm.s32 $0x1  }
0x2: {  	[smem:$0x3F79] =	sst lr;
	_ =	strace $0xD0000000  }
0x3: {  	_ = 	snop  }
0x4: {  	_ = 	snop  }
0x5: {  	_ = 	snop  }
0x6: {  	_ = 	snop  }
0x7: {  	_ = 	snop  }
__scs_overlays_trampoline_lowered:
0x8: {  	[smem:$0x3F88] =	sst s0  }
0x9: {  	[smem:$0x3F89] =	sst s1  }
0xa: {  	[smem:$0x3F8A] =	sst s2  }
0xb: {  	[smem:$0x3F8B] =	sst s3  }
0xc: {  	[smem:$0x3F8C] =	sst s4  }
0xd: {  	[smem:$0x3F8D] =	sst s5  }
0xe: {  	[smem:$0x3F8E] =	sst s6  }
0xf: {  	[smem:$0x3F8F] =	sst s7  }
0x10: {  	[smem:$0x3F90] =	sst s8  }
0x11: {  	[smem:$0x3F91] =	sst s9;
	s0 =	simm.s32 @!p0 $0x0  }
0x12: {  	s1 =	sld [smem:$0x3F77];
	s0 =	simm.s32 @p0 $0x1  }
0x13: {  	[smem:$0x3F92] =	sst s0;
	s0 =	simm.s32 @!p1 $0x0  }
0x14: {  	s2 =	sld [smem:$0x3F76];
	s0 =	simm.s32 @p1 $0x1  }
0x15: {  	[smem:$0x3F93] =	sst s0;
	s0 =	simm.s32 @!p2 $0x0  }
0x16: {  	s3 =	sld [smem:$0x3FDB];
	s0 =	simm.s32 @p2 $0x1  }
0x17: {  	s4 =	simm.s32 $0x1BF5;
	[smem:$0x3F95] =	sst s0  }
0x18: {  	s0 =	sld [smem:$0x3F78];
	_ =	swait.ge [sflag:s4], $0x0  }
0x19: {  	s7 =	sld [smem:$0x3F79]  }
0x1a: {  	s8 =	sadd.s32 $0xFFFFE003, lr  }
0x1b: {  	s9 =	sadd.s32 $0xFFFFFEF7, lr;
	s5 =	simm.s32 $0xFFFFFFFF;
	p2 =	slt.u32 s8, $0xFFFFF086  }
0x1c: {  	p1 =	slt.u32 s9, $0xF7A;
	s5 =	simm.s32 @!p2 $0x0  }
0x1d: {  	s5 =	simm.s32 @p1 $0x1;
	p0 =	seq.s32 s7, s2  }
0x1e: {  	s7 =	smul.u32 @!p0 $0xF7A, s2;
	p2 =	seq.s32 @!p0 s5, $0x0  }
0x1f: {  	s9 =	smul.u32 $0xF7A, s1;
	s8 =	simm.s32 @!p0 $0x1BF5;
	p2 =	por !p2, p0  }
0x20: {  	[sflag:s8] =	ssyncset.s32 @!p0 $0xFFFFF086;
	s6 =	sadd.s32 @!p0 s3, s7;
	s7 =	simm.s32 @!p0 $0x108  }
0x21: {  	s3 =	sadd.s32 s3, s9;
	s6 =	sadd.s32 @!p0 $0x88, s6;
	s7 =	simm.s32 @p2 $0x1082  }
0x22: {  	[simem:s7], [sflag:s8] =	dma.local @!p0 [hbm:s6], $0xF7A  }
0x23: {  	s9 =	sor.u32 $0xD0000000, s2;
	s6 =	simm.s32 $0x108;
	_ =	swait.ge @!p0 [sflag:s8], $0x0  }
0x24: {  	s3 =	sadd.s32 $0x88, s3;
	s6 =	simm.s32 @!p1 $0x1082;
	[sflag:s4] =	ssyncset.s32 $0xFFFFF086  }
0x25: {  	[simem:s6], [sflag:s4] =	dma.local [hbm:s3], $0xF7A  }
0x26: {  	[smem:$0x3F79] =	sst s1;
	(tag) =	ssettag s2;
	_ =	strace s9  }
0x27: {  	s1 =	sld [smem:$0x3F89]  }
0x28: {  	s2 =	sld [smem:$0x3F8A]  }
0x29: {  	s4 =	sld [smem:$0x3F8C]  }
0x2a: {  	p0 =	seq.s32 s5, $0x0;
	s5 =	sld [smem:$0x3F8D]  }
0x2b: {  	s6 =	sld [smem:$0x3F8E]  }
0x2c: {  	s7 =	sld [smem:$0x3F8F]  }
0x2d: {  	s3 =	simm.s32 $0x108;
	s8 =	sld [smem:$0x3F90]  }
0x2e: {  	s3 =	simm.s32 @!p0 $0x1082;
	s9 =	sld [smem:$0x3F91]  }
0x2f: {  	lr =	sadd.s32 s0, s3;
	s0 =	sld [smem:$0x3F88]  }
0x30: {  	s3 =	sld [smem:$0x3F8B]  }
0x31: {  	[smem:$0x3F94] =	sst s10  }
0x32: {  	s10 =	sld [smem:$0x3F92];
	_ =	sdelay $0x3  }
0x33: {  	p0 =	seq.s32 s10, $0x1;
	s10 =	sld [smem:$0x3F94];
	_ =	sdelay $0x3  }
0x34: {  	[smem:$0x3F94] =	sst s10  }
0x35: {  	s10 =	sld [smem:$0x3F93];
	_ =	sdelay $0x3  }
0x36: {  	p1 =	seq.s32 s10, $0x1;
	s10 =	sld [smem:$0x3F94];
	_ =	sdelay $0x3  }
0x37: {  	[smem:$0x3F94] =	sst s10  }
0x38: {  	s10 =	sld [smem:$0x3F95]  }
0x39: {  	_ = 	snop;
	(pc) =	sbr.ind lr, $3  }
0x3a: {  	_ = 	snop  }
0x3b: {  	_ = 	snop  }
0x3c: {  	p2 =	seq.s32 s10, $0x1;
	s10 =	sld [smem:$0x3F94]  }
0x3d: {  	_ =	shalt  }
0x3e: {  	_ =	shalt  }
0x3f: {  	_ =	shalt  }
0x40: {  	_ =	shalt  }
0x41: {  	_ =	shalt  }
0x42: {  	_ =	shalt  }
0x43: {  	_ =	shalt  }
0x44: {  	_ =	shalt  }
0x45: {  	_ =	shalt  }
0x46: {  	_ =	shalt  }
0x47: {  	_ =	shalt  }
0x48: {  	_ =	shalt  }
0x49: {  	_ =	shalt  }
0x4a: {  	_ =	shalt  }
0x4b: {  	_ =	shalt  }
0x4c: {  	_ =	shalt  }
0x4d: {  	_ =	shalt  }
0x4e: {  	_ =	shalt  }
0x4f: {  	_ =	shalt  }
0x50: {  	_ =	shalt  }
0x51: {  	_ =	shalt  }
0x52: {  	_ =	shalt  }
0x53: {  	_ =	shalt  }
0x54: {  	_ =	shalt  }
0x55: {  	_ =	shalt  }
0x56: {  	_ =	shalt  }
0x57: {  	_ =	shalt  }
0x58: {  	_ =	shalt  }
0x59: {  	_ =	shalt  }
0x5a: {  	_ =	shalt  }
0x5b: {  	_ =	shalt  }
0x5c: {  	_ =	shalt  }
0x5d: {  	_ =	shalt  }
0x5e: {  	_ =	shalt  }
0x5f: {  	_ =	shalt  }
0x60: {  	_ =	shalt  }
0x61: {  	_ =	shalt  }
0x62: {  	_ =	shalt  }
0x63: {  	_ =	shalt  }
0x64: {  	_ =	shalt  }
0x65: {  	_ =	shalt  }
0x66: {  	_ =	shalt  }
0x67: {  	_ =	shalt  }
0x68: {  	_ =	shalt  }
0x69: {  	_ =	shalt  }
0x6a: {  	_ =	shalt  }
0x6b: {  	_ =	shalt  }
0x6c: {  	_ =	shalt  }
0x6d: {  	_ =	shalt  }
0x6e: {  	_ =	shalt  }
0x6f: {  	_ =	shalt  }
0x70: {  	_ =	shalt  }
0x71: {  	_ =	shalt  }
0x72: {  	_ =	shalt  }
0x73: {  	_ =	shalt  }
0x74: {  	_ =	shalt  }
0x75: {  	_ =	shalt  }
0x76: {  	_ =	shalt  }
0x77: {  	_ =	shalt  }
0x78: {  	_ =	shalt  }
0x79: {  	_ =	shalt  }
0x7a: {  	_ =	shalt  }
0x7b: {  	_ =	shalt  }
0x7c: {  	_ =	shalt  }
0x7d: {  	_ =	shalt  }
0x7e: {  	_ =	shalt  }
0x7f: {  	_ =	shalt  }
0x80: {  	_ =	shalt  }
0x81: {  	_ =	shalt  }
0x82: {  	_ =	shalt  }
0x83: {  	_ =	shalt  }
0x84: {  	_ =	shalt  }
0x85: {  	_ =	shalt  }
0x86: {  	_ =	shalt  }
0x87: {  	_ =	shalt  }
.Lfunc_end0:
.L_simem_size_0:
called_computation.1_lowered:
.L_overlay_start_0:
0x88: {  	s2 =	sld [smem:$0x3FD9]  }
0x89: {  	s3 =	sld [smem:$0x3FFE];
	_ =	sdelay $0x1  }
0x8a: {  	s1 =	srdreg.scid  }
0x8b: {  	s0 =	sand.u32 $0x1, s1  }
0x8c: {  	s14 =	sshll.u32 s0, $0xA;
	s2 =	sadd.s32 s3, s2  }
0x8d: {  	s2 =	sadd.s32 s2, s14  }
0x8e: {  	[smem:$0x3FA0] =	sst s2  }
0x8f: {  	_ = 	snop  }
0x90: {  	s2 =	sld [smem:$0x3FD0];
	_ =	sdelay $0x2  }
0x91: {  	s15 =	simm.s32 $0xA;
	s4 =	simm.s32 $0x10  }
0x92: {  	[smem:s4], [sflag:s15] =	dma.local [hbm:s2], $0x1  }
0x93: {  	_ =	swait.eq [sflag:s15], $0x1  }
0x94: {  	[sflag:s15] =	ssyncset.done $0x0  }
0x95: {  	s16 =	sld [smem:$0x10];
	[sflag:s15] =	ssyncadd.s32 $0xFFFFFFFF  }
0x96: {  	s17 =	sld [smem:$0x11];
	(tm) =	ssettm $0x1  }
0x97: {  	s18 =	sld [smem:$0x3FFB];
	_ =	sdelay $0x3  }
0x98: {  	_ =	strace s18  }
0x99: {  	s4 =	sld [smem:$0x3FFC];
	_ =	sdelay $0x3  }
0x9a: {  	_ =	strace s4  }
0x9b: {  	s4 =	sld [smem:$0x3FFD];
	_ =	sdelay $0x3  }
0x9c: {  	_ =	strace s4  }
0x9d: {  	_ =	strace $0x8FFFFFFF  }
0x9e: {  	s19 =	sld [smem:$0x3FDB];
	_ =	sdelay $0x1  }
0x9f: {  	s5 =	simm.s32 $_scs_section_size  }
0xa0: {  	s6 =	simm.s32 $_size__tile_overlayer_lowered;
	s7 =	simm.s32 $_tile_overlayer_lowered  }
0xa1: {  	s22 =	simm.s32 $0x1BFF;
	s21 =	sshll.u32 s7, $0x1;
	s4 =	sadd.s32 s5, s19  }
0xa2: {  	s8 =	simm.s32 $0x0;
	s20 =	sshll.u32 s6, $0x1;
	s6 =	sadd.s32 s21, s4  }
0xa3: {  	[timem:s8], [sflag:s22] =	dma.local [hbm:s6], s20  }
0xa4: {  	_ =	swait.ge [sflag:s22], s20  }
0xa5: {  	s5 =	ssub.s32 $0x0, s20;
	[sflag:s22] =	ssyncset.done $0x0  }
0xa6: {  	[sflag:s22] =	ssyncadd.s32 s5;
	_ =	sdelay $0x1  }
0xa7: {  	s23 =	simm.s32 $0x1B8B  }
0xa8: {  	_ =	swait.ge [sflag:s23], $0x1  }
0xa9: {  	[sflag:s23] =	ssyncset.done $0x0  }
0xaa: {  	s25 =	simm.s32 $0x1B8E;
	s24 =	sld [smem:$0x3FFE];
	[sflag:s23] =	ssyncadd.s32 $0xFFFFFFFF  }
0xab: {  	s26 =	simm.s32 $execute0_lowered;
	[smem:$0x3FD2] =	sst s25  }
0xac: {  	s6 =	sshll.u32 s26, $0x1;
	_ =	strace $0x80000046;
	[dreg:$0x1] =	wrdreg $0xFFFFFFFF  }
0xad: {  	s28 =	simm.s32 $_size_execute0_lowered;
	s4 =	sadd.s32 s4, s6;
	[dreg:$0x0] =	wrdreg $0x0  }
0xae: {  	s6 =	sshll.u32 s28, $0x1;
	[dreg:$0x2] =	wrdreg s4  }
0xaf: {  	[dreg:$0x3] =	wrdreg s6  }
0xb0: {  	[dreg:$0x4] =	wrdreg $0xC0  }
0xb1: {  	_ =	task [dreg:s8], $0x5FFFF  }
0xb2: {  	[dreg:$0x1] =	wrdreg $0xFFFFFFFF  }
0xb3: {  	[dreg:$0x0] =	wrdreg $0x60  }
0xb4: {  	[dreg:$0x2] =	wrdreg s24  }
0xb5: {  	[dreg:$0x3] =	wrdreg s16  }
0xb6: {  	[dreg:$0x4] =	wrdreg s17  }
0xb7: {  	[dreg:$0x5] =	wrdreg $0x5C000  }
0xb8: {  	[dreg:$0x6] =	wrdreg $0x9  }
0xb9: {  	_ =	task.clear_ibuf [dreg:s8], $0x7FFFF;
	_ =	strace $0x90000046  }
0xba: {  	s29 =	simm.s32 $0x9;
	_ =	strace $0x80000048  }
0xbb: {  	_ =	swait.ge [sflag:s29], $0x1  }
0xbc: {  	[sflag:s29] =	ssyncadd.s32 $0xFFFFFFFF  }
0xbd: {  	_ =	strace $0x90000048  }
0xbe: {  	_ =	sfence  }
0xbf: {  	s30 =	sld [smem:$0x0];
	_ =	sdelay $0x2  }
0xc0: {  	s31 =	sshll.u32 s1, $0xD;
	s1 =	sshrl.u32 s1, $0x2  }
0xc1: {  	s3 =	sand.u32 $0x4000, s31;
	s1 =	sadd.s32 s1, s30  }
0xc2: {  	s0 =	sor.u32 s3, s0;
	s1 =	sshll.u32 s1, $0x11  }
0xc3: {  	s0 =	sor.u32 s1, s0  }
0xc4: {  	s0 =	sadd.s32 $0x8F2B, s0  }
0xc5: {  	[sflag:s0] =	ssyncadd.remote.s32 $0x1  }
0xc6: {  	_ =	sfence.sel $0xFFFF  }
0xc7: {  	[dreg:$0x0] =	wrdreg $0xFFFFFFFF;
	(pc) =	sbr.abs _section_cstart, $3  }
0xc8: {  	[dreg:$0x1] =	wrdreg $0xFFFFFFFF  }
0xc9: {  	_ =	task.clear_ibuf [dreg:s8], $0x2FFFF;
	_ =	strace $0x9FFFFFFF  }
0xca: {  	(tm) =	ssettm $0x7FFFFFFF  }
0xcb: {  	_ =	shalt  }
tec
execute0_lowered:
.L_overlay_start_1:
0x0: {  	(tag) =	ssettag $0x1  }
0x1: {  	s5 =	rddreg [dreg:$0x0]  }
0x2: {  	s1 =	rddreg [dreg:$0x1]  }
0x3: {  	s17 =	rddreg [dreg:$0x2]  }
0x4: {  	s3 =	rddreg [dreg:$0x3]  }
0x5: {  	s0 =	srdreg.scid;
	s2 =	rddreg [dreg:$0x4]  }
0x6: {  	s4 =	simm.s32 $0x0;
	s20 =	simm.s32 $0x5000;
	s8 =	sand.u32 $0x1, s0  }
0x7: {  	s21 =	simm.s32 $0x5800;
	s0 =	stileid.u32;
	s6 =	smul.u32 $0x50000, s8  }
0x8: {  	s22 =	simm.s32 $0x80;
	[smem:$0x7FF] =	sst s4;
	s7 =	smul.u32 $0x5000, s0  }
0x9: {  	s25 =	simm.s32 $0x0;
	_ =	strace $0x80000047;
	s9 =	smul.u32 $0xA000, s0  }
0xa: {  	s31 =	ssub.s32 $0x2, s8;
	s13 =	smul.u32 $0x2800, s0;
	s23 =	sshll.u32 s0, $0x6  }
0xb: {  	s14 =	smul.u32 $0x28000, s8;
	s10 =	sshrl.u32 s31, $0x1;
	s23 =	sor.u32 $0x1C01, s23  }
0xc: {  	s6 =	sadd.s32 s7, s6;
	s18 =	ssub.s32 s31, s10;
	s9 =	sshrl.u32 s9, $0x2  }
0xd: {  	s7 =	sadd.s32 s13, s3;
	s15 =	sadd.s32 s13, s14;
	s6 =	sshrl.u32 s6, $0x3  }
0xe: {  	s16 =	sadd.s32 s9, s3;
	s19 =	sshrl.u32 s15, $0x3;
	s18 =	smax.u32 s18, $0x1  }
0xf: {  	s24 =	sshrl.u32 s7, $0x3;
	s6 =	sadd.s32 s6, s5;
	s5 =	sadd.s32 $0x1B800, s5  }
0x10: {  	s8 =	sadd.s32 $0x400, s16;
	s9 =	sadd.s32 $0x800, s16;
	s10 =	sadd.s32 $0xC00, s16  }
0x11: {  	s11 =	sadd.s32 $0x1000, s16;
	s12 =	sadd.s32 $0x1400, s16;
	s13 =	sadd.s32 $0x1800, s16  }
0x12: {  	s14 =	sadd.s32 $0x1C00, s16;
	s15 =	sadd.s32 $0x2000, s16;
	s16 =	sadd.s32 $0x2400, s16  }
0x13: {  	s17 =	sadd.s32 s17, s19;
	s19 =	simm.s32 $0x1;
	s6 =	sadd.s32 $0x7800, s6  }
.LBB2_1:
0x14: {  	[tilespmem:s4], [sflag:$0x1] =	stream.linear.gather [hbm4b:s6+s4], $0x5000, $0x38;
	[tilespmem:$0x8400] =	vst v63  }
0x15: {  	_ =	swait.ge [sflag:s19], $0x5000  }
0x16: {  	[sflag:s19] =	ssyncset.done $0x0  }
0x17: {  	[sflag:s19] =	ssyncadd.s32 $0xFFFFB000  }
0x18: {  	[tilespmem:s20], [sflag:$0x1] =	stream.linear.gather [hbm4b:s1+s4], $0x800, $0x38;
	[tilespmem:$0x8400] =	vst v63  }
0x19: {  	_ =	swait.ge [sflag:s19], $0x800  }
0x1a: {  	[sflag:s19] =	ssyncset.done $0x0  }
0x1b: {  	[sflag:s19] =	ssyncadd.s32 $0xFFFFF800  }
0x1c: {  	[tilespmem:s21], [sflag:$0x1] =	stream.linear.gather [hbm4b:s5+s4], $0x400, $0x38;
	[tilespmem:$0x8400] =	vst v63  }
0x1d: {  	_ =	swait.ge [sflag:s19], $0x400  }
0x1e: {  	[sflag:s19] =	ssyncset.done $0x0  }
0x1f: {  	[sflag:s19] =	ssyncadd.s32 $0xFFFFFC00  }
0x20: {  	[spmem:s7] =	stream.linear.scatter [tilespmem:s21], [sflag:$0x1], $0x400, $0x38;
	[tilespmem:$0x8400] =	vst v63  }
0x21: {  	_ =	swait.ge [sflag:s19], $0x400  }
0x22: {  	[sflag:s19] =	ssyncset.done $0x0  }
0x23: {  	[sflag:s19] =	ssyncadd.s32 $0xFFFFFC00  }
0x24: {  	[spmem:s8] =	stream.linear.scatter [tilespmem:s21], [sflag:$0x1], $0x400, $0x38;
	[tilespmem:$0x8400] =	vst v63  }
0x25: {  	_ =	swait.ge [sflag:s19], $0x400  }
0x26: {  	[sflag:s19] =	ssyncset.done $0x0  }
0x27: {  	[sflag:s19] =	ssyncadd.s32 $0xFFFFFC00  }
0x28: {  	[spmem:s9] =	stream.linear.scatter [tilespmem:s21], [sflag:$0x1], $0x400, $0x38;
	[tilespmem:$0x8400] =	vst v63  }
0x29: {  	_ =	swait.ge [sflag:s19], $0x400  }
0x2a: {  	[sflag:s19] =	ssyncset.done $0x0  }
0x2b: {  	[sflag:s19] =	ssyncadd.s32 $0xFFFFFC00  }
0x2c: {  	[spmem:s10] =	stream.linear.scatter [tilespmem:s21], [sflag:$0x1], $0x400, $0x38;
	[tilespmem:$0x8400] =	vst v63  }
0x2d: {  	_ =	swait.ge [sflag:s19], $0x400  }
0x2e: {  	[sflag:s19] =	ssyncset.done $0x0  }
0x2f: {  	[sflag:s19] =	ssyncadd.s32 $0xFFFFFC00  }
0x30: {  	[spmem:s11] =	stream.linear.scatter [tilespmem:s21], [sflag:$0x1], $0x400, $0x38;
	[tilespmem:$0x8400] =	vst v63  }
0x31: {  	_ =	swait.ge [sflag:s19], $0x400  }
0x32: {  	[sflag:s19] =	ssyncset.done $0x0  }
0x33: {  	[sflag:s19] =	ssyncadd.s32 $0xFFFFFC00  }
0x34: {  	[spmem:s12] =	stream.linear.scatter [tilespmem:s21], [sflag:$0x1], $0x400, $0x38;
	[tilespmem:$0x8400] =	vst v63  }
0x35: {  	_ =	swait.ge [sflag:s19], $0x400  }
0x36: {  	[sflag:s19] =	ssyncset.done $0x0  }
0x37: {  	[sflag:s19] =	ssyncadd.s32 $0xFFFFFC00  }
0x38: {  	[spmem:s13] =	stream.linear.scatter [tilespmem:s21], [sflag:$0x1], $0x400, $0x38;
	[tilespmem:$0x8400] =	vst v63  }
0x39: {  	_ =	swait.ge [sflag:s19], $0x400  }
0x3a: {  	[sflag:s19] =	ssyncset.done $0x0  }
0x3b: {  	[sflag:s19] =	ssyncadd.s32 $0xFFFFFC00  }
0x3c: {  	[spmem:s14] =	stream.linear.scatter [tilespmem:s21], [sflag:$0x1], $0x400, $0x38;
	[tilespmem:$0x8400] =	vst v63  }
0x3d: {  	_ =	swait.ge [sflag:s19], $0x400  }
0x3e: {  	[sflag:s19] =	ssyncset.done $0x0  }
0x3f: {  	[sflag:s19] =	ssyncadd.s32 $0xFFFFFC00  }
0x40: {  	[spmem:s15] =	stream.linear.scatter [tilespmem:s21], [sflag:$0x1], $0x400, $0x38;
	[tilespmem:$0x8400] =	vst v63  }
0x41: {  	_ =	swait.ge [sflag:s19], $0x400  }
0x42: {  	[sflag:s19] =	ssyncset.done $0x0  }
0x43: {  	[sflag:s19] =	ssyncadd.s32 $0xFFFFFC00  }
0x44: {  	[spmem:s16] =	stream.linear.scatter [tilespmem:s21], [sflag:$0x1], $0x400, $0x38;
	[tilespmem:$0x8400] =	vst v63  }
0x45: {  	_ =	swait.ge [sflag:s19], $0x400  }
0x46: {  	[sflag:s19] =	ssyncset.done $0x0  }
0x47: {  	[sflag:s19] =	ssyncadd.s32 $0xFFFFFC00  }
0x48: {  	s26 =	simm.s32 $0x0;
	[bflag:$0x0] =	sbarrier.arrive $0xFFFF  }
0x49: {  	[spmem:s3] =	stream.indirect.scatter.add.f32 [tilespmem:s20], [sflag:$0x1], $0x10, s26, s22, $0xb8;
	[tilespmem:$0x8400] =	vst v63  }
0x4a: {  	_ =	swait.ge [sflag:s19], $0x800  }
0x4b: {  	s26 =	simm.s32 $0x200;
	[sflag:s19] =	ssyncset.done $0x0  }
.LBB2_2:
0x4c: {  	s28 =	sshra.s32 s26, $0x2;
	[sflag:s19] =	ssyncadd.s32 $0xFFFFF800;
	p0 =	sne.s32 s26, $0x13A00  }
0x4d: {  	[spmem:s3] =	stream.indirect.scatter.add.f32 [tilespmem:s20], [sflag:$0x1], $0x10, s28, s22, $0xb8;
	[tilespmem:$0x8400] =	vst v63  }
.Ltmp0:
0x4e: {  	_ = 	snop;
	(pc) =	sbr.rel @p0 .LBB2_2-.Ltmp0, $4  }
0x4f: {  	_ = 	snop  }
0x50: {  	s26 =	sadd.s32 $0x200, s26  }
0x51: {  	_ =	swait.ge [sflag:s19], $0x800  }
0x52: {  	[sflag:s19] =	ssyncset.done $0x0  }
0x53: {  	s25 =	sadd.s32 $0x1, s25  }
0x54: {  	[sflag:s19] =	ssyncadd.s32 $0xFFFFF800;
	p0 =	sne.s32 s25, s18  }
.Ltmp1:
0x55: {  	[bflag:$0x0] =	sbarrier.arrive $0xFFFF;
	(pc) =	sbr.rel @p0 .LBB2_1-.Ltmp1, $4  }
0x56: {  	[hbm:s17], [sflag:s23] =	dma.local [spmem:s24], $0x500  }
0x57: {  	_ =	swait.ge [sflag:s19], $0x500  }
0x58: {  	[sflag:s19] =	ssyncset.done $0x0  }
0x59: {  	[sflag:s19] =	ssyncadd.s32 $0xFFFFFB00  }
0x5a: {  	_ =	sfence.sel $0x180000  }
0x5b: {  	[bflag:$0x0] =	sbarrier.arrive $0xFFFF  }
0x5c: {  	p0 =	sne.s32 s0, $0x0;
	_ =	strace $0x90000047  }
0x5d: {  	s0 =	sadd.s32 @!p0 $0x100000, s2;
	[bflag:$0x2] =	sbarrier.arrive $0xFFFF  }
0x5e: {  	[sflag:s0] =	ssyncadd.tile.s32 @!p0 $0x1;
	_ =	shalt  }
.Lfunc_end2:
_tile_overlayer_lowered:
.L_overlay_start_2:
0x5f: {  	(tag) =	ssettag $0x2  }
0x60: {  	s0 =	rddreg [dreg:$0x0];
	s2 =	stileid.u32  }
0x61: {  	s1 =	rddreg [dreg:$0x1];
	p0 =	sne.s32 s2, $0x0  }
0x62: {  	s3 =	rddreg [dreg:$0x2];
	[bflag:$0x3] =	sbarrier.arrive $0xFFFF;
	s2 =	simm.s32 @!p0 $0x1C01  }
0x63: {  	[timem:s3], [sflag:s2] =	dma.local @!p0 [hbm:s0], s1  }
0x64: {  	s0 =	simm.s32 @!p0 $0x1  }
0x65: {  	_ =	swait.ge @!p0 [sflag:s0], s1  }
0x66: {  	s1 =	ssub.s32 @!p0 $0x0, s1;
	[sflag:s0] =	ssyncset.done @!p0 $0x0  }
0x67: {  	[sflag:s0] =	ssyncadd.s32 @!p0 s1  }
0x68: {  	[bflag:$0x3] =	sbarrier.arrive $0xFFFF  }
0x69: {  	_ =	shalt  }

</sc_bundles>
